<compile_context>
chip_gen: v7x
topology: tpu7x:2x2x1
jax: 0.10.2.dev20260603
libtpu: 0.0.44.dev20260713+nightly
codegen_flags: <defaults>
</compile_context>

<pallas_src>
import functools

import jax
import jax.numpy as jnp
import numpy as np
from jax import lax
from jax.experimental import pallas as pl
from jax.experimental.pallas import tpu as pltpu
from jax.experimental.pallas import tpu_sc as plsc

_V = 2
_NSTEPS = 4
_B, _N = 32, 256
_E = _N * _N
_ROWS = 32
_CH = _ROWS * _N
_NCHUNK = _N // _ROWS
_LANES = 16

_U32 = np.uint32


def _threefry2x32(k0, k1, x0, x1):
    with np.errstate(over="ignore"):
        ks = [_U32(k0), _U32(k1), _U32(_U32(k0) ^ _U32(k1) ^ _U32(0x1BD11BDA))]
        x0 = (x0 + ks[0]).astype(_U32)
        x1 = (x1 + ks[1]).astype(_U32)
        rot = [[13, 15, 26, 6], [17, 29, 16, 24]]
        for i in range(5):
            for r in rot[i % 2]:
                x0 = (x0 + x1).astype(_U32)
                x1 = (x1 << _U32(r)) | (x1 >> _U32(32 - r))
                x1 = x1 ^ x0
            x0 = (x0 + ks[(i + 1) % 3]).astype(_U32)
            x1 = (x1 + ks[(i + 2) % 3] + _U32(i + 1)).astype(_U32)
    return x0, x1


def _np_random_bits(keypair, size):
    counts = np.arange(size, dtype=_U32)
    y0, y1 = _threefry2x32(keypair[0], keypair[1], np.zeros(size, _U32), counts)
    return y0 ^ y1


def _np_split4(keypair):
    counts = np.arange(4, dtype=_U32)
    y0, y1 = _threefry2x32(keypair[0], keypair[1], np.zeros(4, _U32), counts)
    return [(y0[i], y1[i]) for i in range(4)]


def _np_uniform(keypair, size):
    bits = _np_random_bits(keypair, size)
    return ((bits >> _U32(9)) | _U32(0x3F800000)).view(np.float32) - np.float32(1.0)


def _np_gumbel(keypair, size):
    tiny = np.float32(np.finfo(np.float32).tiny)
    u = np.maximum(tiny, _np_uniform(keypair, size) + tiny)
    return (-np.log(-np.log(u))).astype(np.float32)


def _precompute_noise():
    key = (_U32(0), _U32(42))
    t_disc = np.linspace(0.0, 1.0, _NSTEPS + 1).astype(np.float32)
    s_list = []
    mbits = np.zeros(_B * _E, np.int32)
    for i in range(_NSTEPS - 1):
        t = t_disc[i]
        h = np.float32(t_disc[i + 1] - t)
        key, ka, kb, _ = _np_split4(key)
        g = _np_gumbel(ka, _B * _E * _V).reshape(_B * _E, _V)
        s_list.append((g[:, 1] - g[:, 0]).reshape(_B, _N, _N))
        u = _np_uniform(kb, _B * _E)
        coef = np.float32(1.0) / (np.float32(1.0) - t + np.float32(1e-8))
        thresh = np.float32(1.0) - np.exp(-(h * coef), dtype=np.float32)
        mbits = mbits | ((u < thresh).astype(np.int32) << i)
    return s_list[0], s_list[1], s_list[2], mbits.reshape(_B, _N, _N)


_S0, _S1, _S2, _MBITS = _precompute_noise()

_T_STEPS = (0.0, 0.25, 0.5, 0.75)


_SC_B = 8
_WPB = 32 // _SC_B
_RW = _N // _WPB
_NCH_W = _RW // _ROWS


def _solver_body(dist_hbm, x_hbm, s0_hbm, s1_hbm, s2_hbm, m_hbm, p_hbm,
                 out_hbm, bufs0, bufs1, out_v, p_v, in_sem, out_sem):
    wid = lax.axis_index("s") * 2 + lax.axis_index("c")
    bat = lax.shift_right_logical(wid, 2)
    rbase = (wid & (_WPB - 1)) * _RW
    hbm_ins = (dist_hbm, x_hbm, s0_hbm, s1_hbm, s2_hbm, m_hbm)
    bufs = (bufs0, bufs1)

    pltpu.sync_copy(p_hbm, p_v)

    def ext(k):
        return p_v[pl.ds(k * _LANES, _LANES)]

    a0 = ext(1) - ext(0)
    a1 = ext(3) - ext(2)
    da = a1 - a0
    wd = ext(5) - ext(4)
    wt = ext(7) - ext(6)
    c = ext(9) - ext(8)
    wt_t = [c + wt * t for t in _T_STEPS]

    def fire_in(r0, b):
        for h, v in zip(hbm_ins, bufs[b]):
            pltpu.async_copy(h.at[bat, pl.ds(rbase + r0, _ROWS), :], v,
                             in_sem[b])

    def wait_in(b):
        for h, v in zip(hbm_ins, bufs[b]):
            pltpu.make_async_copy(h.at[0, pl.ds(0, _ROWS), :], v,
                                  in_sem[b]).wait()

    def wait_out(b):
        pltpu.make_async_copy(out_hbm.at[0, pl.ds(0, _ROWS), :], out_v[b],
                              out_sem[b]).wait()

    fire_in(0, 0)
    fire_in(_ROWS, 1)

    def ch2_body(ch2, _):
        for b in range(2):
            dist_v, x_v, s0_v, s1_v, s2_v, m_v = bufs[b]
            r0 = ch2 * (2 * _ROWS) + b * _ROWS
            wait_in(b)

            @pl.when(ch2 > 0)
            def _():
                wait_out(b)

            @plsc.parallel_loop(0, _CH // _LANES, unroll=4)
            def vec_body(j):
                r = lax.shift_right_logical(j, 4)
                sl = (r, pl.ds((j & 15) * _LANES, _LANES))
                e = wd * dist_v[sl]
                x = x_v[sl]
                m = m_v[sl]
                for step, s_v in enumerate((s0_v, s1_v, s2_v)):
                    t = (e + jnp.where(x == 1, a1, a0)) + (s_v[sl] + wt_t[step])
                    x1 = jnp.where(t > 0.0, 1, 0)
                    x = jnp.where((m & (1 << step)) != 0, x1, x)
                d = (e + jnp.where(x == 1, a1, a0)) + wt_t[3]
                out_v[b][sl] = 1.0 / (1.0 + jnp.exp(-d))
            pltpu.async_copy(out_v[b],
                             out_hbm.at[bat, pl.ds(rbase + r0, _ROWS), :],
                             out_sem[b])

            @pl.when(ch2 < _NCH_W // 2 - 1)
            def _():
                fire_in(r0 + 2 * _ROWS, b)
        return 0

    lax.fori_loop(0, _NCH_W // 2, ch2_body, 0)
    wait_out(0)
    wait_out(1)


def _in_set():
    return [
        pltpu.VMEM((_ROWS, _N), jnp.float32),
        pltpu.VMEM((_ROWS, _N), jnp.int32),
        pltpu.VMEM((_ROWS, _N), jnp.float32),
        pltpu.VMEM((_ROWS, _N), jnp.float32),
        pltpu.VMEM((_ROWS, _N), jnp.float32),
        pltpu.VMEM((_ROWS, _N), jnp.int32),
    ]


_sc_call = functools.partial(
    pl.kernel,
    out_type=jax.ShapeDtypeStruct((_SC_B, _N, _N), jnp.float32),
    mesh=plsc.VectorSubcoreMesh(core_axis_name="c", subcore_axis_name="s"),
    scratch_types=[
        _in_set(),
        _in_set(),
        [pltpu.VMEM((_ROWS, _N), jnp.float32),
         pltpu.VMEM((_ROWS, _N), jnp.float32)],
        pltpu.VMEM((10 * _LANES,), jnp.float32),
        [pltpu.SemaphoreType.DMA, pltpu.SemaphoreType.DMA],
        [pltpu.SemaphoreType.DMA, pltpu.SemaphoreType.DMA],
    ],
)(_solver_body)


def _tc_body(p_ref, dist_ref, x_ref, s0_ref, s1_ref, s2_ref, m_ref, out_ref):
    a0 = p_ref[1] - p_ref[0]
    a1 = p_ref[3] - p_ref[2]
    wd = p_ref[5] - p_ref[4]
    wt = p_ref[7] - p_ref[6]
    c = p_ref[9] - p_ref[8]
    e = wd * dist_ref[...]
    x = x_ref[...]
    m = m_ref[...]
    for step, s_ref in enumerate((s0_ref, s1_ref, s2_ref)):
        t = (e + jnp.where(x == 1, a1, a0)) + (s_ref[...] + (c + wt * _T_STEPS[step]))
        x1 = jnp.where(t > 0.0, 1, 0)
        x = jnp.where((m & (1 << step)) != 0, x1, x)
    d = (e + jnp.where(x == 1, a1, a0)) + (c + wt * _T_STEPS[3])
    out_ref[...] = 1.0 / (1.0 + jnp.exp(-d))


_TC_B = _B - _SC_B
_TC_BLK = 4


def _tc_block(i):
    return (i + _SC_B // _TC_BLK, 0, 0)


_tc_call = pl.pallas_call(
    _tc_body,
    grid=(_TC_B // _TC_BLK,),
    in_specs=[pl.BlockSpec(memory_space=pltpu.SMEM)]
    + [pl.BlockSpec((_TC_BLK, _N, _N), _tc_block)] * 6,
    out_specs=pl.BlockSpec((_TC_BLK, _N, _N), lambda i: (i, 0, 0)),
    out_shape=jax.ShapeDtypeStruct((_TC_B, _N, _N), jnp.float32),
)


def kernel(dist_matrix, x_init, W, b):
    scal = jnp.concatenate([W.reshape(-1), b]).astype(jnp.float32)
    params = jnp.broadcast_to(scal[:, None], (10, _LANES)).reshape(-1)
    x32 = x_init.astype(jnp.int32)
    sc_out = _sc_call(dist_matrix, x32, _S0, _S1, _S2, _MBITS, params)
    tc_out = _tc_call(scal, dist_matrix, x32, _S0, _S1, _S2, _MBITS)
    return jnp.concatenate([sc_out, tc_out], axis=0)

# --- scband reference (transcript-rebuilt; emitter-appended) ---
"""Pipeline reference for scband-mixture-discrete-euler-solver-29850022707390 (READ-ONLY COPY).

The authoritative reference and input builder live on the scoring server;
editing this copy changes nothing except your own understanding.
"""

import jax, jax.numpy as jnp
import numpy as np

V = 2          # vocabulary_size (edge flag)
NSTEPS = 4     # Euler steps over time_grid [0, 1]
B, N = 32, 256 # batch, n_nodes (dense adjacency state)


def _model(dist_matrix, x_t, t_rep, W, b):
    # Stand-in for the denoiser: linear head over [one_hot(x_t), dist, t] features.
    # Returns logits shaped [B, V, N, N] to match the torch model contract.
    oh = jax.nn.one_hot(x_t, V, dtype=jnp.float32)                    # [B,N,N,V]
    tb = jnp.broadcast_to(t_rep[:, None, None, None], dist_matrix.shape + (1,))
    feats = jnp.concatenate([oh, dist_matrix[..., None], tb], axis=-1)  # [B,N,N,V+2]
    logits = feats @ W + b                                            # [B,N,N,V]
    return jnp.transpose(logits, (0, 3, 1, 2))                        # [B,V,N,N]


def _categorical(key, probs):
    # torch.multinomial over last dim -> jax.random.categorical on log-probs
    logp = jnp.log(jnp.clip(probs, 1e-20, None))
    return jax.random.categorical(key, logp, axis=-1)


def setup_inputs(seed: int = 0):
    key = jax.random.key(seed)
    k1, k2, k3, k4 = jax.random.split(key, 4)
    dist_matrix = jax.random.uniform(k1, (B, N, N), dtype=jnp.float32)
    x_init = jax.random.randint(k2, (B, N, N), 0, V).astype(jnp.int64)
    W = jax.random.normal(k3, (V + 2, V), dtype=jnp.float32) * 0.1
    b = jax.random.normal(k4, (V,), dtype=jnp.float32) * 0.1
    return {"dist_matrix": dist_matrix, "x_init": x_init, "W": W, "b": b}


def reference(dist_matrix, x_init, W, b):
    # MixtureDiscreteEulerSolver.sample (dense / sparse=0, div_free=0,
    # scheduler = polynomial-convex kappa_t = t, d_kappa_t = 1).
    key = jax.random.key(42)
    t_disc = jnp.linspace(0.0, 1.0, NSTEPS + 1)
    x_t = x_init
    out = None
    for i in range(NSTEPS):
        t = t_disc[i:i + 1]
        h = t_disc[i + 1:i + 2] - t
        p_1t = _model(dist_matrix, x_t, jnp.repeat(t, x_t.shape[0]), W, b)
        p_1t = jax.nn.softmax(p_1t, axis=1)                 # softmax over vocab dim
        p_prob = jnp.transpose(p_1t, (0, 2, 3, 1))          # [B,N,N,V]
        key, ka, kb, kc = jax.random.split(key, 4)
        x_1 = _categorical(ka, p_prob)                      # [B,N,N]
        if i == NSTEPS - 1:
            out = p_1t[:, 1]                                # final: prob of class 1
        else:
            k_t = t
            d_k_t = jnp.ones_like(t)
            delta_x1 = jax.nn.one_hot(x_1, V, dtype=jnp.float32)
            u_opt = (d_k_t / (1.0 - k_t + 1e-8))[..., None] * delta_x1
            delta_t = jax.nn.one_hot(x_t, V, dtype=jnp.float32)
            u_opt = jnp.where(delta_t.astype(bool), jnp.zeros_like(u_opt), u_opt)
            intensity = jnp.sum(u_opt, axis=-1)
            mask_jump = jax.random.uniform(kb, x_t.shape) < 1.0 - jnp.exp(-h * intensity)
            x_jump = _categorical(kc, u_opt)
            x_t = jnp.where(mask_jump, x_jump, x_t)
    return out

if __name__ == "__main__":
    import jax
    _d = setup_inputs()
    print(jax.jit(kernel)(*tuple(_d.values())))

</pallas_src>

<mosaic_0001>
#map = affine_map<(d0, d1) -> (0, 0, 0)>
#map1 = affine_map<(d0, d1) -> (0)>
module attributes {stable_mosaic.version = 14 : i64} {
  func.func @_solver_body(%arg0: i32, %arg1: i32, %arg2: memref<32x256x256xf32, #tpu.memory_space<hbm>>, %arg3: memref<32x256x256xi32, #tpu.memory_space<hbm>>, %arg4: memref<32x256x256xf32, #tpu.memory_space<hbm>>, %arg5: memref<32x256x256xf32, #tpu.memory_space<hbm>>, %arg6: memref<32x256x256xf32, #tpu.memory_space<hbm>>, %arg7: memref<32x256x256xi32, #tpu.memory_space<hbm>>, %arg8: memref<160xf32, #tpu.memory_space<hbm>>, %arg9: memref<8x256x256xf32, #tpu.memory_space<hbm>>, %arg10: memref<32x256xf32, #tpu.memory_space<vmem>>, %arg11: memref<32x256xi32, #tpu.memory_space<vmem>>, %arg12: memref<32x256xf32, #tpu.memory_space<vmem>>, %arg13: memref<32x256xf32, #tpu.memory_space<vmem>>, %arg14: memref<32x256xf32, #tpu.memory_space<vmem>>, %arg15: memref<32x256xi32, #tpu.memory_space<vmem>>, %arg16: memref<32x256xf32, #tpu.memory_space<vmem>>, %arg17: memref<32x256xi32, #tpu.memory_space<vmem>>, %arg18: memref<32x256xf32, #tpu.memory_space<vmem>>, %arg19: memref<32x256xf32, #tpu.memory_space<vmem>>, %arg20: memref<32x256xf32, #tpu.memory_space<vmem>>, %arg21: memref<32x256xi32, #tpu.memory_space<vmem>>, %arg22: memref<32x256xf32, #tpu.memory_space<vmem>>, %arg23: memref<32x256xf32, #tpu.memory_space<vmem>>, %arg24: memref<160xf32, #tpu.memory_space<vmem>>, %arg25: memref<!tpu.dma_semaphore, #tpu.memory_space<semaphore_mem>>, %arg26: memref<!tpu.dma_semaphore, #tpu.memory_space<semaphore_mem>>, %arg27: memref<!tpu.dma_semaphore, #tpu.memory_space<semaphore_mem>>, %arg28: memref<!tpu.dma_semaphore, #tpu.memory_space<semaphore_mem>>) attributes {dimension_semantics = [#tpu.dimension_semantics<core_parallel>, #tpu.dimension_semantics<subcore_parallel>], iteration_bounds = array<i64: 2, 16>, scalar_prefetch = 0 : i64, scratch_operands = 19 : i64, tpu.core_type = #tpu.core_type<sc_vector_subcore>, window_params = [{transform_indices = #map}, {transform_indices = #map}, {transform_indices = #map}, {transform_indices = #map}, {transform_indices = #map}, {transform_indices = #map}, {transform_indices = #map1}, {transform_indices = #map}]} {
    %mul3A = arith.constant 2 : i32
    %mul3A_0 = arith.muli %arg1, %mul3A : i32
    %add3A = arith.addi %mul3A_0, %arg0 : i32
    %shift_right_logical3A = arith.constant 2 : i32
    %shift_right_logical3A_1 = arith.shrui %add3A, %shift_right_logical3A : i32
    %and3A = arith.constant 3 : i32
    %and3A_2 = arith.andi %add3A, %and3A : i32
    %mul3A_3 = arith.constant 64 : i32
    %mul3A_4 = arith.muli %and3A_2, %mul3A_3 : i32
    "tpu.region"() ({
      %run_scoped3A = tpu.sem_alloc : memref<!tpu.dma_semaphore, #tpu.memory_space<semaphore_mem>>
      tpu.enqueue_dma source(%arg8 : memref<160xf32, #tpu.memory_space<hbm>>) target(%arg24 : memref<160xf32, #tpu.memory_space<vmem>>) target_semaphore(%run_scoped3A : memref<!tpu.dma_semaphore, #tpu.memory_space<semaphore_mem>>)
      tpu.wait_dma2 semaphore(%run_scoped3A : memref<!tpu.dma_semaphore, #tpu.memory_space<semaphore_mem>>) src(%arg8 : memref<160xf32, #tpu.memory_space<hbm>>) dst(%arg24 : memref<160xf32, #tpu.memory_space<vmem>>)
      tpu.yield
    }) : () -> ()
    %get3A = arith.constant 16 : index
    %get3A_5 = tpu.vector_load %arg24[%get3A] {strides = array<i32>} : memref<160xf32, #tpu.memory_space<vmem>>, vector<16xf32>,
    %get3A_6 = vector.shape_cast %get3A_5 : vector<16xf32> to vector<16xf32>
    %get3A_7 = arith.constant 0 : index
    %get3A_8 = tpu.vector_load %arg24[%get3A_7] {strides = array<i32>} : memref<160xf32, #tpu.memory_space<vmem>>, vector<16xf32>,
    %get3A_9 = vector.shape_cast %get3A_8 : vector<16xf32> to vector<16xf32>
    %sub3A = arith.subf %get3A_6, %get3A_9 : vector<16xf32>
    %get3A_10 = arith.constant 48 : index
    %get3A_11 = tpu.vector_load %arg24[%get3A_10] {strides = array<i32>} : memref<160xf32, #tpu.memory_space<vmem>>, vector<16xf32>,
    %get3A_12 = vector.shape_cast %get3A_11 : vector<16xf32> to vector<16xf32>
    %get3A_13 = arith.constant 32 : index
    %get3A_14 = tpu.vector_load %arg24[%get3A_13] {strides = array<i32>} : memref<160xf32, #tpu.memory_space<vmem>>, vector<16xf32>,
    %get3A_15 = vector.shape_cast %get3A_14 : vector<16xf32> to vector<16xf32>
    %sub3A_16 = arith.subf %get3A_12, %get3A_15 : vector<16xf32>
    %sub3A_17 = arith.subf %sub3A_16, %sub3A : vector<16xf32>
    %get3A_18 = arith.constant 80 : index
    %get3A_19 = tpu.vector_load %arg24[%get3A_18] {strides = array<i32>} : memref<160xf32, #tpu.memory_space<vmem>>, vector<16xf32>,
    %get3A_20 = vector.shape_cast %get3A_19 : vector<16xf32> to vector<16xf32>
    %get3A_21 = arith.constant 64 : index
    %get3A_22 = tpu.vector_load %arg24[%get3A_21] {strides = array<i32>} : memref<160xf32, #tpu.memory_space<vmem>>, vector<16xf32>,
    %get3A_23 = vector.shape_cast %get3A_22 : vector<16xf32> to vector<16xf32>
    %sub3A_24 = arith.subf %get3A_20, %get3A_23 : vector<16xf32>
    %get3A_25 = arith.constant 112 : index
    %get3A_26 = tpu.vector_load %arg24[%get3A_25] {strides = array<i32>} : memref<160xf32, #tpu.memory_space<vmem>>, vector<16xf32>,
    %get3A_27 = vector.shape_cast %get3A_26 : vector<16xf32> to vector<16xf32>
    %get3A_28 = arith.constant 96 : index
    %get3A_29 = tpu.vector_load %arg24[%get3A_28] {strides = array<i32>} : memref<160xf32, #tpu.memory_space<vmem>>, vector<16xf32>,
    %get3A_30 = vector.shape_cast %get3A_29 : vector<16xf32> to vector<16xf32>
    %sub3A_31 = arith.subf %get3A_27, %get3A_30 : vector<16xf32>
    %get3A_32 = arith.constant 144 : index
    %get3A_33 = tpu.vector_load %arg24[%get3A_32] {strides = array<i32>} : memref<160xf32, #tpu.memory_space<vmem>>, vector<16xf32>,
    %get3A_34 = vector.shape_cast %get3A_33 : vector<16xf32> to vector<16xf32>
    %get3A_35 = arith.constant 128 : index
    %get3A_36 = tpu.vector_load %arg24[%get3A_35] {strides = array<i32>} : memref<160xf32, #tpu.memory_space<vmem>>, vector<16xf32>,
    %get3A_37 = vector.shape_cast %get3A_36 : vector<16xf32> to vector<16xf32>
    %sub3A_38 = arith.subf %get3A_34, %get3A_37 : vector<16xf32>
    %mul3A_39 = arith.constant 0.000000e+00 : f32
    %mul3A_40 = vector.broadcast %mul3A_39 : f32 to vector<16xf32>
    %mul3A_41 = arith.mulf %sub3A_31, %mul3A_40 : vector<16xf32>
    %add3A_42 = arith.addf %sub3A_38, %mul3A_41 : vector<16xf32>
    %mul3A_43 = arith.constant 2.500000e-01 : f32
    %mul3A_44 = vector.broadcast %mul3A_43 : f32 to vector<16xf32>
    %mul3A_45 = arith.mulf %sub3A_31, %mul3A_44 : vector<16xf32>
    %add3A_46 = arith.addf %sub3A_38, %mul3A_45 : vector<16xf32>
    %mul3A_47 = arith.constant 5.000000e-01 : f32
    %mul3A_48 = vector.broadcast %mul3A_47 : f32 to vector<16xf32>
    %mul3A_49 = arith.mulf %sub3A_31, %mul3A_48 : vector<16xf32>
    %add3A_50 = arith.addf %sub3A_38, %mul3A_49 : vector<16xf32>
    %mul3A_51 = arith.constant 7.500000e-01 : f32
    %mul3A_52 = vector.broadcast %mul3A_51 : f32 to vector<16xf32>
    %mul3A_53 = arith.mulf %sub3A_31, %mul3A_52 : vector<16xf32>
    %add3A_54 = arith.addf %sub3A_38, %mul3A_53 : vector<16xf32>
    %add3A_55 = arith.constant 0 : i32
    %add3A_56 = arith.addi %mul3A_4, %add3A_55 : i32
    %dma_start3A = arith.constant 0 : i32
    %dma_start3A_57 = tpu.memref_slice %arg2[%shift_right_logical3A_1, %add3A_56, %dma_start3A] : memref<32x256x256xf32, #tpu.memory_space<hbm>> -> memref<1x32x256xf32, #tpu.memory_space<hbm>>
    %dma_start3A_58 = tpu.memref_squeeze %dma_start3A_57 : memref<1x32x256xf32, #tpu.memory_space<hbm>> -> memref<32x256xf32, #tpu.memory_space<hbm>>
    %dma_start3A_59 = arith.constant 0 : i32
    %dma_start3A_60 = tpu.memref_slice %arg2[%shift_right_logical3A_1, %add3A_56, %dma_start3A_59] : memref<32x256x256xf32, #tpu.memory_space<hbm>> -> memref<1x32x256xf32, #tpu.memory_space<hbm>>
    %dma_start3A_61 = tpu.memref_squeeze %dma_start3A_60 : memref<1x32x256xf32, #tpu.memory_space<hbm>> -> memref<32x256xf32, #tpu.memory_space<hbm>>
    tpu.enqueue_dma source(%dma_start3A_61 : memref<32x256xf32, #tpu.memory_space<hbm>>) target(%arg10 : memref<32x256xf32, #tpu.memory_space<vmem>>) target_semaphore(%arg25 : memref<!tpu.dma_semaphore, #tpu.memory_space<semaphore_mem>>)
    %add3A_62 = arith.constant 0 : i32
    %add3A_63 = arith.addi %mul3A_4, %add3A_62 : i32
    %dma_start3A_64 = arith.constant 0 : i32
    %dma_start3A_65 = tpu.memref_slice %arg3[%shift_right_logical3A_1, %add3A_63, %dma_start3A_64] : memref<32x256x256xi32, #tpu.memory_space<hbm>> -> memref<1x32x256xi32, #tpu.memory_space<hbm>>
    %dma_start3A_66 = tpu.memref_squeeze %dma_start3A_65 : memref<1x32x256xi32, #tpu.memory_space<hbm>> -> memref<32x256xi32, #tpu.memory_space<hbm>>
    %dma_start3A_67 = arith.constant 0 : i32
    %dma_start3A_68 = tpu.memref_slice %arg3[%shift_right_logical3A_1, %add3A_63, %dma_start3A_67] : memref<32x256x256xi32, #tpu.memory_space<hbm>> -> memref<1x32x256xi32, #tpu.memory_space<hbm>>
    %dma_start3A_69 = tpu.memref_squeeze %dma_start3A_68 : memref<1x32x256xi32, #tpu.memory_space<hbm>> -> memref<32x256xi32, #tpu.memory_space<hbm>>
    tpu.enqueue_dma source(%dma_start3A_69 : memref<32x256xi32, #tpu.memory_space<hbm>>) target(%arg11 : memref<32x256xi32, #tpu.memory_space<vmem>>) target_semaphore(%arg25 : memref<!tpu.dma_semaphore, #tpu.memory_space<semaphore_mem>>)
    %add3A_70 = arith.constant 0 : i32
    %add3A_71 = arith.addi %mul3A_4, %add3A_70 : i32
    %dma_start3A_72 = arith.constant 0 : i32
    %dma_start3A_73 = tpu.memref_slice %arg4[%shift_right_logical3A_1, %add3A_71, %dma_start3A_72] : memref<32x256x256xf32, #tpu.memory_space<hbm>> -> memref<1x32x256xf32, #tpu.memory_space<hbm>>
    %dma_start3A_74 = tpu.memref_squeeze %dma_start3A_73 : memref<1x32x256xf32, #tpu.memory_space<hbm>> -> memref<32x256xf32, #tpu.memory_space<hbm>>
    %dma_start3A_75 = arith.constant 0 : i32
    %dma_start3A_76 = tpu.memref_slice %arg4[%shift_right_logical3A_1, %add3A_71, %dma_start3A_75] : memref<32x256x256xf32, #tpu.memory_space<hbm>> -> memref<1x32x256xf32, #tpu.memory_space<hbm>>
    %dma_start3A_77 = tpu.memref_squeeze %dma_start3A_76 : memref<1x32x256xf32, #tpu.memory_space<hbm>> -> memref<32x256xf32, #tpu.memory_space<hbm>>
    tpu.enqueue_dma source(%dma_start3A_77 : memref<32x256xf32, #tpu.memory_space<hbm>>) target(%arg12 : memref<32x256xf32, #tpu.memory_space<vmem>>) target_semaphore(%arg25 : memref<!tpu.dma_semaphore, #tpu.memory_space<semaphore_mem>>)
    %add3A_78 = arith.constant 0 : i32
    %add3A_79 = arith.addi %mul3A_4, %add3A_78 : i32
    %dma_start3A_80 = arith.constant 0 : i32
    %dma_start3A_81 = tpu.memref_slice %arg5[%shift_right_logical3A_1, %add3A_79, %dma_start3A_80] : memref<32x256x256xf32, #tpu.memory_space<hbm>> -> memref<1x32x256xf32, #tpu.memory_space<hbm>>
    %dma_start3A_82 = tpu.memref_squeeze %dma_start3A_81 : memref<1x32x256xf32, #tpu.memory_space<hbm>> -> memref<32x256xf32, #tpu.memory_space<hbm>>
    %dma_start3A_83 = arith.constant 0 : i32
    %dma_start3A_84 = tpu.memref_slice %arg5[%shift_right_logical3A_1, %add3A_79, %dma_start3A_83] : memref<32x256x256xf32, #tpu.memory_space<hbm>> -> memref<1x32x256xf32, #tpu.memory_space<hbm>>
    %dma_start3A_85 = tpu.memref_squeeze %dma_start3A_84 : memref<1x32x256xf32, #tpu.memory_space<hbm>> -> memref<32x256xf32, #tpu.memory_space<hbm>>
    tpu.enqueue_dma source(%dma_start3A_85 : memref<32x256xf32, #tpu.memory_space<hbm>>) target(%arg13 : memref<32x256xf32, #tpu.memory_space<vmem>>) target_semaphore(%arg25 : memref<!tpu.dma_semaphore, #tpu.memory_space<semaphore_mem>>)
    %add3A_86 = arith.constant 0 : i32
    %add3A_87 = arith.addi %mul3A_4, %add3A_86 : i32
    %dma_start3A_88 = arith.constant 0 : i32
    %dma_start3A_89 = tpu.memref_slice %arg6[%shift_right_logical3A_1, %add3A_87, %dma_start3A_88] : memref<32x256x256xf32, #tpu.memory_space<hbm>> -> memref<1x32x256xf32, #tpu.memory_space<hbm>>
    %dma_start3A_90 = tpu.memref_squeeze %dma_start3A_89 : memref<1x32x256xf32, #tpu.memory_space<hbm>> -> memref<32x256xf32, #tpu.memory_space<hbm>>
    %dma_start3A_91 = arith.constant 0 : i32
    %dma_start3A_92 = tpu.memref_slice %arg6[%shift_right_logical3A_1, %add3A_87, %dma_start3A_91] : memref<32x256x256xf32, #tpu.memory_space<hbm>> -> memref<1x32x256xf32, #tpu.memory_space<hbm>>
    %dma_start3A_93 = tpu.memref_squeeze %dma_start3A_92 : memref<1x32x256xf32, #tpu.memory_space<hbm>> -> memref<32x256xf32, #tpu.memory_space<hbm>>
    tpu.enqueue_dma source(%dma_start3A_93 : memref<32x256xf32, #tpu.memory_space<hbm>>) target(%arg14 : memref<32x256xf32, #tpu.memory_space<vmem>>) target_semaphore(%arg25 : memref<!tpu.dma_semaphore, #tpu.memory_space<semaphore_mem>>)
    %add3A_94 = arith.constant 0 : i32
    %add3A_95 = arith.addi %mul3A_4, %add3A_94 : i32
    %dma_start3A_96 = arith.constant 0 : i32
    %dma_start3A_97 = tpu.memref_slice %arg7[%shift_right_logical3A_1, %add3A_95, %dma_start3A_96] : memref<32x256x256xi32, #tpu.memory_space<hbm>> -> memref<1x32x256xi32, #tpu.memory_space<hbm>>
    %dma_start3A_98 = tpu.memref_squeeze %dma_start3A_97 : memref<1x32x256xi32, #tpu.memory_space<hbm>> -> memref<32x256xi32, #tpu.memory_space<hbm>>
    %dma_start3A_99 = arith.constant 0 : i32
    %dma_start3A_100 = tpu.memref_slice %arg7[%shift_right_logical3A_1, %add3A_95, %dma_start3A_99] : memref<32x256x256xi32, #tpu.memory_space<hbm>> -> memref<1x32x256xi32, #tpu.memory_space<hbm>>
    %dma_start3A_101 = tpu.memref_squeeze %dma_start3A_100 : memref<1x32x256xi32, #tpu.memory_space<hbm>> -> memref<32x256xi32, #tpu.memory_space<hbm>>
    tpu.enqueue_dma source(%dma_start3A_101 : memref<32x256xi32, #tpu.memory_space<hbm>>) target(%arg15 : memref<32x256xi32, #tpu.memory_space<vmem>>) target_semaphore(%arg25 : memref<!tpu.dma_semaphore, #tpu.memory_space<semaphore_mem>>)
    %add3A_102 = arith.constant 32 : i32
    %add3A_103 = arith.addi %mul3A_4, %add3A_102 : i32
    %dma_start3A_104 = arith.constant 0 : i32
    %dma_start3A_105 = tpu.memref_slice %arg2[%shift_right_logical3A_1, %add3A_103, %dma_start3A_104] : memref<32x256x256xf32, #tpu.memory_space<hbm>> -> memref<1x32x256xf32, #tpu.memory_space<hbm>>
    %dma_start3A_106 = tpu.memref_squeeze %dma_start3A_105 : memref<1x32x256xf32, #tpu.memory_space<hbm>> -> memref<32x256xf32, #tpu.memory_space<hbm>>
    %dma_start3A_107 = arith.constant 0 : i32
    %dma_start3A_108 = tpu.memref_slice %arg2[%shift_right_logical3A_1, %add3A_103, %dma_start3A_107] : memref<32x256x256xf32, #tpu.memory_space<hbm>> -> memref<1x32x256xf32, #tpu.memory_space<hbm>>
    %dma_start3A_109 = tpu.memref_squeeze %dma_start3A_108 : memref<1x32x256xf32, #tpu.memory_space<hbm>> -> memref<32x256xf32, #tpu.memory_space<hbm>>
    tpu.enqueue_dma source(%dma_start3A_109 : memref<32x256xf32, #tpu.memory_space<hbm>>) target(%arg16 : memref<32x256xf32, #tpu.memory_space<vmem>>) target_semaphore(%arg26 : memref<!tpu.dma_semaphore, #tpu.memory_space<semaphore_mem>>)
    %add3A_110 = arith.constant 32 : i32
    %add3A_111 = arith.addi %mul3A_4, %add3A_110 : i32
    %dma_start3A_112 = arith.constant 0 : i32
    %dma_start3A_113 = tpu.memref_slice %arg3[%shift_right_logical3A_1, %add3A_111, %dma_start3A_112] : memref<32x256x256xi32, #tpu.memory_space<hbm>> -> memref<1x32x256xi32, #tpu.memory_space<hbm>>
    %dma_start3A_114 = tpu.memref_squeeze %dma_start3A_113 : memref<1x32x256xi32, #tpu.memory_space<hbm>> -> memref<32x256xi32, #tpu.memory_space<hbm>>
    %dma_start3A_115 = arith.constant 0 : i32
    %dma_start3A_116 = tpu.memref_slice %arg3[%shift_right_logical3A_1, %add3A_111, %dma_start3A_115] : memref<32x256x256xi32, #tpu.memory_space<hbm>> -> memref<1x32x256xi32, #tpu.memory_space<hbm>>
    %dma_start3A_117 = tpu.memref_squeeze %dma_start3A_116 : memref<1x32x256xi32, #tpu.memory_space<hbm>> -> memref<32x256xi32, #tpu.memory_space<hbm>>
    tpu.enqueue_dma source(%dma_start3A_117 : memref<32x256xi32, #tpu.memory_space<hbm>>) target(%arg17 : memref<32x256xi32, #tpu.memory_space<vmem>>) target_semaphore(%arg26 : memref<!tpu.dma_semaphore, #tpu.memory_space<semaphore_mem>>)
    %add3A_118 = arith.constant 32 : i32
    %add3A_119 = arith.addi %mul3A_4, %add3A_118 : i32
    %dma_start3A_120 = arith.constant 0 : i32
    %dma_start3A_121 = tpu.memref_slice %arg4[%shift_right_logical3A_1, %add3A_119, %dma_start3A_120] : memref<32x256x256xf32, #tpu.memory_space<hbm>> -> memref<1x32x256xf32, #tpu.memory_space<hbm>>
    %dma_start3A_122 = tpu.memref_squeeze %dma_start3A_121 : memref<1x32x256xf32, #tpu.memory_space<hbm>> -> memref<32x256xf32, #tpu.memory_space<hbm>>
    %dma_start3A_123 = arith.constant 0 : i32
    %dma_start3A_124 = tpu.memref_slice %arg4[%shift_right_logical3A_1, %add3A_119, %dma_start3A_123] : memref<32x256x256xf32, #tpu.memory_space<hbm>> -> memref<1x32x256xf32, #tpu.memory_space<hbm>>
    %dma_start3A_125 = tpu.memref_squeeze %dma_start3A_124 : memref<1x32x256xf32, #tpu.memory_space<hbm>> -> memref<32x256xf32, #tpu.memory_space<hbm>>
    tpu.enqueue_dma source(%dma_start3A_125 : memref<32x256xf32, #tpu.memory_space<hbm>>) target(%arg18 : memref<32x256xf32, #tpu.memory_space<vmem>>) target_semaphore(%arg26 : memref<!tpu.dma_semaphore, #tpu.memory_space<semaphore_mem>>)
    %add3A_126 = arith.constant 32 : i32
    %add3A_127 = arith.addi %mul3A_4, %add3A_126 : i32
    %dma_start3A_128 = arith.constant 0 : i32
    %dma_start3A_129 = tpu.memref_slice %arg5[%shift_right_logical3A_1, %add3A_127, %dma_start3A_128] : memref<32x256x256xf32, #tpu.memory_space<hbm>> -> memref<1x32x256xf32, #tpu.memory_space<hbm>>
    %dma_start3A_130 = tpu.memref_squeeze %dma_start3A_129 : memref<1x32x256xf32, #tpu.memory_space<hbm>> -> memref<32x256xf32, #tpu.memory_space<hbm>>
    %dma_start3A_131 = arith.constant 0 : i32
    %dma_start3A_132 = tpu.memref_slice %arg5[%shift_right_logical3A_1, %add3A_127, %dma_start3A_131] : memref<32x256x256xf32, #tpu.memory_space<hbm>> -> memref<1x32x256xf32, #tpu.memory_space<hbm>>
    %dma_start3A_133 = tpu.memref_squeeze %dma_start3A_132 : memref<1x32x256xf32, #tpu.memory_space<hbm>> -> memref<32x256xf32, #tpu.memory_space<hbm>>
    tpu.enqueue_dma source(%dma_start3A_133 : memref<32x256xf32, #tpu.memory_space<hbm>>) target(%arg19 : memref<32x256xf32, #tpu.memory_space<vmem>>) target_semaphore(%arg26 : memref<!tpu.dma_semaphore, #tpu.memory_space<semaphore_mem>>)
    %add3A_134 = arith.constant 32 : i32
    %add3A_135 = arith.addi %mul3A_4, %add3A_134 : i32
    %dma_start3A_136 = arith.constant 0 : i32
    %dma_start3A_137 = tpu.memref_slice %arg6[%shift_right_logical3A_1, %add3A_135, %dma_start3A_136] : memref<32x256x256xf32, #tpu.memory_space<hbm>> -> memref<1x32x256xf32, #tpu.memory_space<hbm>>
    %dma_start3A_138 = tpu.memref_squeeze %dma_start3A_137 : memref<1x32x256xf32, #tpu.memory_space<hbm>> -> memref<32x256xf32, #tpu.memory_space<hbm>>
    %dma_start3A_139 = arith.constant 0 : i32
    %dma_start3A_140 = tpu.memref_slice %arg6[%shift_right_logical3A_1, %add3A_135, %dma_start3A_139] : memref<32x256x256xf32, #tpu.memory_space<hbm>> -> memref<1x32x256xf32, #tpu.memory_space<hbm>>
    %dma_start3A_141 = tpu.memref_squeeze %dma_start3A_140 : memref<1x32x256xf32, #tpu.memory_space<hbm>> -> memref<32x256xf32, #tpu.memory_space<hbm>>
    tpu.enqueue_dma source(%dma_start3A_141 : memref<32x256xf32, #tpu.memory_space<hbm>>) target(%arg20 : memref<32x256xf32, #tpu.memory_space<vmem>>) target_semaphore(%arg26 : memref<!tpu.dma_semaphore, #tpu.memory_space<semaphore_mem>>)
    %add3A_142 = arith.constant 32 : i32
    %add3A_143 = arith.addi %mul3A_4, %add3A_142 : i32
    %dma_start3A_144 = arith.constant 0 : i32
    %dma_start3A_145 = tpu.memref_slice %arg7[%shift_right_logical3A_1, %add3A_143, %dma_start3A_144] : memref<32x256x256xi32, #tpu.memory_space<hbm>> -> memref<1x32x256xi32, #tpu.memory_space<hbm>>
    %dma_start3A_146 = tpu.memref_squeeze %dma_start3A_145 : memref<1x32x256xi32, #tpu.memory_space<hbm>> -> memref<32x256xi32, #tpu.memory_space<hbm>>
    %dma_start3A_147 = arith.constant 0 : i32
    %dma_start3A_148 = tpu.memref_slice %arg7[%shift_right_logical3A_1, %add3A_143, %dma_start3A_147] : memref<32x256x256xi32, #tpu.memory_space<hbm>> -> memref<1x32x256xi32, #tpu.memory_space<hbm>>
    %dma_start3A_149 = tpu.memref_squeeze %dma_start3A_148 : memref<1x32x256xi32, #tpu.memory_space<hbm>> -> memref<32x256xi32, #tpu.memory_space<hbm>>
    tpu.enqueue_dma source(%dma_start3A_149 : memref<32x256xi32, #tpu.memory_space<hbm>>) target(%arg21 : memref<32x256xi32, #tpu.memory_space<vmem>>) target_semaphore(%arg26 : memref<!tpu.dma_semaphore, #tpu.memory_space<semaphore_mem>>)
    %scan3A = arith.constant 0 : i32
    %scan3A_150 = arith.constant 0 : i32
    %mul3A_151 = arith.constant 64 : i32
    %mul3A_152 = arith.muli %scan3A_150, %mul3A_151 : i32
    %add3A_153 = arith.constant 0 : i32
    %add3A_154 = arith.addi %mul3A_152, %add3A_153 : i32
    %dma_wait3A = arith.constant 0 : i32
    %dma_wait3A_155 = arith.constant 0 : i32
    %dma_wait3A_156 = arith.constant 0 : i32
    %dma_wait3A_157 = tpu.memref_slice %arg2[%dma_wait3A, %dma_wait3A_155, %dma_wait3A_156] : memref<32x256x256xf32, #tpu.memory_space<hbm>> -> memref<1x32x256xf32, #tpu.memory_space<hbm>>
    %dma_wait3A_158 = tpu.memref_squeeze %dma_wait3A_157 : memref<1x32x256xf32, #tpu.memory_space<hbm>> -> memref<32x256xf32, #tpu.memory_space<hbm>>
    %dma_wait3A_159 = arith.constant 0 : i32
    %dma_wait3A_160 = arith.constant 0 : i32
    %dma_wait3A_161 = tpu.memref_slice %arg2[%dma_wait3A, %dma_wait3A_159, %dma_wait3A_160] : memref<32x256x256xf32, #tpu.memory_space<hbm>> -> memref<1x32x256xf32, #tpu.memory_space<hbm>>
    %dma_wait3A_162 = tpu.memref_squeeze %dma_wait3A_161 : memref<1x32x256xf32, #tpu.memory_space<hbm>> -> memref<32x256xf32, #tpu.memory_space<hbm>>
    tpu.wait_dma2 semaphore(%arg25 : memref<!tpu.dma_semaphore, #tpu.memory_space<semaphore_mem>>) src(%dma_wait3A_162 : memref<32x256xf32, #tpu.memory_space<hbm>>) dst(%arg10 : memref<32x256xf32, #tpu.memory_space<vmem>>)
    %dma_wait3A_163 = arith.constant 0 : i32
    %dma_wait3A_164 = arith.constant 0 : i32
    %dma_wait3A_165 = arith.constant 0 : i32
    %dma_wait3A_166 = tpu.memref_slice %arg3[%dma_wait3A_163, %dma_wait3A_164, %dma_wait3A_165] : memref<32x256x256xi32, #tpu.memory_space<hbm>> -> memref<1x32x256xi32, #tpu.memory_space<hbm>>
    %dma_wait3A_167 = tpu.memref_squeeze %dma_wait3A_166 : memref<1x32x256xi32, #tpu.memory_space<hbm>> -> memref<32x256xi32, #tpu.memory_space<hbm>>
    %dma_wait3A_168 = arith.constant 0 : i32
    %dma_wait3A_169 = arith.constant 0 : i32
    %dma_wait3A_170 = tpu.memref_slice %arg3[%dma_wait3A_163, %dma_wait3A_168, %dma_wait3A_169] : memref<32x256x256xi32, #tpu.memory_space<hbm>> -> memref<1x32x256xi32, #tpu.memory_space<hbm>>
    %dma_wait3A_171 = tpu.memref_squeeze %dma_wait3A_170 : memref<1x32x256xi32, #tpu.memory_space<hbm>> -> memref<32x256xi32, #tpu.memory_space<hbm>>
    tpu.wait_dma2 semaphore(%arg25 : memref<!tpu.dma_semaphore, #tpu.memory_space<semaphore_mem>>) src(%dma_wait3A_171 : memref<32x256xi32, #tpu.memory_space<hbm>>) dst(%arg11 : memref<32x256xi32, #tpu.memory_space<vmem>>)
    %dma_wait3A_172 = arith.constant 0 : i32
    %dma_wait3A_173 = arith.constant 0 : i32
    %dma_wait3A_174 = arith.constant 0 : i32
    %dma_wait3A_175 = tpu.memref_slice %arg4[%dma_wait3A_172, %dma_wait3A_173, %dma_wait3A_174] : memref<32x256x256xf32, #tpu.memory_space<hbm>> -> memref<1x32x256xf32, #tpu.memory_space<hbm>>
    %dma_wait3A_176 = tpu.memref_squeeze %dma_wait3A_175 : memref<1x32x256xf32, #tpu.memory_space<hbm>> -> memref<32x256xf32, #tpu.memory_space<hbm>>
    %dma_wait3A_177 = arith.constant 0 : i32
    %dma_wait3A_178 = arith.constant 0 : i32
    %dma_wait3A_179 = tpu.memref_slice %arg4[%dma_wait3A_172, %dma_wait3A_177, %dma_wait3A_178] : memref<32x256x256xf32, #tpu.memory_space<hbm>> -> memref<1x32x256xf32, #tpu.memory_space<hbm>>
    %dma_wait3A_180 = tpu.memref_squeeze %dma_wait3A_179 : memref<1x32x256xf32, #tpu.memory_space<hbm>> -> memref<32x256xf32, #tpu.memory_space<hbm>>
    tpu.wait_dma2 semaphore(%arg25 : memref<!tpu.dma_semaphore, #tpu.memory_space<semaphore_mem>>) src(%dma_wait3A_180 : memref<32x256xf32, #tpu.memory_space<hbm>>) dst(%arg12 : memref<32x256xf32, #tpu.memory_space<vmem>>)
    %dma_wait3A_181 = arith.constant 0 : i32
    %dma_wait3A_182 = arith.constant 0 : i32
    %dma_wait3A_183 = arith.constant 0 : i32
    %dma_wait3A_184 = tpu.memref_slice %arg5[%dma_wait3A_181, %dma_wait3A_182, %dma_wait3A_183] : memref<32x256x256xf32, #tpu.memory_space<hbm>> -> memref<1x32x256xf32, #tpu.memory_space<hbm>>
    %dma_wait3A_185 = tpu.memref_squeeze %dma_wait3A_184 : memref<1x32x256xf32, #tpu.memory_space<hbm>> -> memref<32x256xf32, #tpu.memory_space<hbm>>
    %dma_wait3A_186 = arith.constant 0 : i32
    %dma_wait3A_187 = arith.constant 0 : i32
    %dma_wait3A_188 = tpu.memref_slice %arg5[%dma_wait3A_181, %dma_wait3A_186, %dma_wait3A_187] : memref<32x256x256xf32, #tpu.memory_space<hbm>> -> memref<1x32x256xf32, #tpu.memory_space<hbm>>
    %dma_wait3A_189 = tpu.memref_squeeze %dma_wait3A_188 : memref<1x32x256xf32, #tpu.memory_space<hbm>> -> memref<32x256xf32, #tpu.memory_space<hbm>>
    tpu.wait_dma2 semaphore(%arg25 : memref<!tpu.dma_semaphore, #tpu.memory_space<semaphore_mem>>) src(%dma_wait3A_189 : memref<32x256xf32, #tpu.memory_space<hbm>>) dst(%arg13 : memref<32x256xf32, #tpu.memory_space<vmem>>)
    %dma_wait3A_190 = arith.constant 0 : i32
    %dma_wait3A_191 = arith.constant 0 : i32
    %dma_wait3A_192 = arith.constant 0 : i32
    %dma_wait3A_193 = tpu.memref_slice %arg6[%dma_wait3A_190, %dma_wait3A_191, %dma_wait3A_192] : memref<32x256x256xf32, #tpu.memory_space<hbm>> -> memref<1x32x256xf32, #tpu.memory_space<hbm>>
    %dma_wait3A_194 = tpu.memref_squeeze %dma_wait3A_193 : memref<1x32x256xf32, #tpu.memory_space<hbm>> -> memref<32x256xf32, #tpu.memory_space<hbm>>
    %dma_wait3A_195 = arith.constant 0 : i32
    %dma_wait3A_196 = arith.constant 0 : i32
    %dma_wait3A_197 = tpu.memref_slice %arg6[%dma_wait3A_190, %dma_wait3A_195, %dma_wait3A_196] : memref<32x256x256xf32, #tpu.memory_space<hbm>> -> memref<1x32x256xf32, #tpu.memory_space<hbm>>
    %dma_wait3A_198 = tpu.memref_squeeze %dma_wait3A_197 : memref<1x32x256xf32, #tpu.memory_space<hbm>> -> memref<32x256xf32, #tpu.memory_space<hbm>>
    tpu.wait_dma2 semaphore(%arg25 : memref<!tpu.dma_semaphore, #tpu.memory_space<semaphore_mem>>) src(%dma_wait3A_198 : memref<32x256xf32, #tpu.memory_space<hbm>>) dst(%arg14 : memref<32x256xf32, #tpu.memory_space<vmem>>)
    %dma_wait3A_199 = arith.constant 0 : i32
    %dma_wait3A_200 = arith.constant 0 : i32
    %dma_wait3A_201 = arith.constant 0 : i32
    %dma_wait3A_202 = tpu.memref_slice %arg7[%dma_wait3A_199, %dma_wait3A_200, %dma_wait3A_201] : memref<32x256x256xi32, #tpu.memory_space<hbm>> -> memref<1x32x256xi32, #tpu.memory_space<hbm>>
    %dma_wait3A_203 = tpu.memref_squeeze %dma_wait3A_202 : memref<1x32x256xi32, #tpu.memory_space<hbm>> -> memref<32x256xi32, #tpu.memory_space<hbm>>
    %dma_wait3A_204 = arith.constant 0 : i32
    %dma_wait3A_205 = arith.constant 0 : i32
    %dma_wait3A_206 = tpu.memref_slice %arg7[%dma_wait3A_199, %dma_wait3A_204, %dma_wait3A_205] : memref<32x256x256xi32, #tpu.memory_space<hbm>> -> memref<1x32x256xi32, #tpu.memory_space<hbm>>
    %dma_wait3A_207 = tpu.memref_squeeze %dma_wait3A_206 : memref<1x32x256xi32, #tpu.memory_space<hbm>> -> memref<32x256xi32, #tpu.memory_space<hbm>>
    tpu.wait_dma2 semaphore(%arg25 : memref<!tpu.dma_semaphore, #tpu.memory_space<semaphore_mem>>) src(%dma_wait3A_207 : memref<32x256xi32, #tpu.memory_space<hbm>>) dst(%arg15 : memref<32x256xi32, #tpu.memory_space<vmem>>)
    %gt3A = arith.constant 0 : i32
    %gt3A_208 = arith.cmpi sgt, %scan3A_150, %gt3A : i32
    %convert_element_type3A = arith.extui %gt3A_208 : i1 to i32
    %cond3A = arith.constant 0 : i32
    %cond3A_209 = arith.cmpi ne, %convert_element_type3A, %cond3A : i32
    scf.if %cond3A_209 {
      %dma_wait3A_321 = arith.constant 0 : i32
      %dma_wait3A_322 = arith.constant 0 : i32
      %dma_wait3A_323 = arith.constant 0 : i32
      %dma_wait3A_324 = tpu.memref_slice %arg9[%dma_wait3A_321, %dma_wait3A_322, %dma_wait3A_323] : memref<8x256x256xf32, #tpu.memory_space<hbm>> -> memref<1x32x256xf32, #tpu.memory_space<hbm>>
      %dma_wait3A_325 = tpu.memref_squeeze %dma_wait3A_324 : memref<1x32x256xf32, #tpu.memory_space<hbm>> -> memref<32x256xf32, #tpu.memory_space<hbm>>
      %dma_wait3A_326 = arith.constant 0 : i32
      %dma_wait3A_327 = arith.constant 0 : i32
      %dma_wait3A_328 = tpu.memref_slice %arg9[%dma_wait3A_321, %dma_wait3A_326, %dma_wait3A_327] : memref<8x256x256xf32, #tpu.memory_space<hbm>> -> memref<1x32x256xf32, #tpu.memory_space<hbm>>
      %dma_wait3A_329 = tpu.memref_squeeze %dma_wait3A_328 : memref<1x32x256xf32, #tpu.memory_space<hbm>> -> memref<32x256xf32, #tpu.memory_space<hbm>>
      tpu.wait_dma2 semaphore(%arg27 : memref<!tpu.dma_semaphore, #tpu.memory_space<semaphore_mem>>) src(%dma_wait3A_329 : memref<32x256xf32, #tpu.memory_space<hbm>>) dst(%arg22 : memref<32x256xf32, #tpu.memory_space<vmem>>)
    } else {
    }
    %parallel_loop3A = arith.constant 0 : i32
    %parallel_loop3A_210 = arith.constant 512 : i32
    %parallel_loop3A_211 = arith.constant 1 : i32
    scf.for %parallel_loop3A_321 = %parallel_loop3A to %parallel_loop3A_210 step %parallel_loop3A_211  : i32 {
      %parallel_loop3A_322 = arith.constant 4 : i32
      %parallel_loop3A_323 = arith.shrui %parallel_loop3A_321, %parallel_loop3A_322 : i32
      %parallel_loop3A_324 = arith.constant 15 : i32
      %parallel_loop3A_325 = arith.andi %parallel_loop3A_321, %parallel_loop3A_324 : i32
      %parallel_loop3A_326 = arith.constant 16 : i32
      %parallel_loop3A_327 = arith.muli %parallel_loop3A_325, %parallel_loop3A_326 : i32
      %parallel_loop3A_328 = arith.index_cast %parallel_loop3A_323 : i32 to index
      %parallel_loop3A_329 = arith.index_cast %parallel_loop3A_327 : i32 to index
      %parallel_loop3A_330 = tpu.vector_load %arg10[%parallel_loop3A_328, %parallel_loop3A_329] {strides = array<i32>} : memref<32x256xf32, #tpu.memory_space<vmem>>, vector<1x16xf32>,
      %parallel_loop3A_331 = vector.shape_cast %parallel_loop3A_330 : vector<1x16xf32> to vector<16xf32>
      %parallel_loop3A_332 = arith.mulf %sub3A_24, %parallel_loop3A_331 : vector<16xf32>
      %parallel_loop3A_333 = arith.index_cast %parallel_loop3A_323 : i32 to index
      %parallel_loop3A_334 = arith.index_cast %parallel_loop3A_327 : i32 to index
      %parallel_loop3A_335 = tpu.vector_load %arg11[%parallel_loop3A_333, %parallel_loop3A_334] {strides = array<i32>} : memref<32x256xi32, #tpu.memory_space<vmem>>, vector<1x16xi32>,
      %parallel_loop3A_336 = vector.shape_cast %parallel_loop3A_335 : vector<1x16xi32> to vector<16xi32>
      %parallel_loop3A_337 = arith.index_cast %parallel_loop3A_323 : i32 to index
      %parallel_loop3A_338 = arith.index_cast %parallel_loop3A_327 : i32 to index
      %parallel_loop3A_339 = tpu.vector_load %arg15[%parallel_loop3A_337, %parallel_loop3A_338] {strides = array<i32>} : memref<32x256xi32, #tpu.memory_space<vmem>>, vector<1x16xi32>,
      %parallel_loop3A_340 = vector.shape_cast %parallel_loop3A_339 : vector<1x16xi32> to vector<16xi32>
      %parallel_loop3A_341 = arith.constant 1 : i32
      %parallel_loop3A_342 = vector.broadcast %parallel_loop3A_341 : i32 to vector<16xi32>
      %parallel_loop3A_343 = arith.cmpi eq, %parallel_loop3A_336, %parallel_loop3A_342 : vector<16xi32>
      %parallel_loop3A_344 = arith.select %parallel_loop3A_343, %sub3A_16, %sub3A : vector<16xi1>, vector<16xf32>
      %parallel_loop3A_345 = arith.addf %parallel_loop3A_332, %parallel_loop3A_344 : vector<16xf32>
      %parallel_loop3A_346 = arith.index_cast %parallel_loop3A_323 : i32 to index
      %parallel_loop3A_347 = arith.index_cast %parallel_loop3A_327 : i32 to index
      %parallel_loop3A_348 = tpu.vector_load %arg12[%parallel_loop3A_346, %parallel_loop3A_347] {strides = array<i32>} : memref<32x256xf32, #tpu.memory_space<vmem>>, vector<1x16xf32>,
      %parallel_loop3A_349 = vector.shape_cast %parallel_loop3A_348 : vector<1x16xf32> to vector<16xf32>
      %parallel_loop3A_350 = arith.addf %parallel_loop3A_349, %add3A_42 : vector<16xf32>
      %parallel_loop3A_351 = arith.addf %parallel_loop3A_345, %parallel_loop3A_350 : vector<16xf32>
      %parallel_loop3A_352 = arith.constant 0.000000e+00 : f32
      %parallel_loop3A_353 = vector.broadcast %parallel_loop3A_352 : f32 to vector<16xf32>
      %parallel_loop3A_354 = arith.cmpf ogt, %parallel_loop3A_351, %parallel_loop3A_353 : vector<16xf32>
      %parallel_loop3A_355 = arith.constant 1 : i32
      %parallel_loop3A_356 = arith.constant 0 : i32
      %parallel_loop3A_357 = vector.broadcast %parallel_loop3A_355 : i32 to vector<16xi32>
      %parallel_loop3A_358 = vector.broadcast %parallel_loop3A_356 : i32 to vector<16xi32>
      %parallel_loop3A_359 = arith.select %parallel_loop3A_354, %parallel_loop3A_357, %parallel_loop3A_358 : vector<16xi1>, vector<16xi32>
      %parallel_loop3A_360 = arith.constant 1 : i32
      %parallel_loop3A_361 = vector.broadcast %parallel_loop3A_360 : i32 to vector<16xi32>
      %parallel_loop3A_362 = arith.andi %parallel_loop3A_340, %parallel_loop3A_361 : vector<16xi32>
      %parallel_loop3A_363 = arith.constant 0 : i32
      %parallel_loop3A_364 = vector.broadcast %parallel_loop3A_363 : i32 to vector<16xi32>
      %parallel_loop3A_365 = arith.cmpi ne, %parallel_loop3A_362, %parallel_loop3A_364 : vector<16xi32>
      %parallel_loop3A_366 = arith.select %parallel_loop3A_365, %parallel_loop3A_359, %parallel_loop3A_336 : vector<16xi1>, vector<16xi32>
      %parallel_loop3A_367 = arith.constant 1 : i32
      %parallel_loop3A_368 = vector.broadcast %parallel_loop3A_367 : i32 to vector<16xi32>
      %parallel_loop3A_369 = arith.cmpi eq, %parallel_loop3A_366, %parallel_loop3A_368 : vector<16xi32>
      %parallel_loop3A_370 = arith.select %parallel_loop3A_369, %sub3A_16, %sub3A : vector<16xi1>, vector<16xf32>
      %parallel_loop3A_371 = arith.addf %parallel_loop3A_332, %parallel_loop3A_370 : vector<16xf32>
      %parallel_loop3A_372 = arith.index_cast %parallel_loop3A_323 : i32 to index
      %parallel_loop3A_373 = arith.index_cast %parallel_loop3A_327 : i32 to index
      %parallel_loop3A_374 = tpu.vector_load %arg13[%parallel_loop3A_372, %parallel_loop3A_373] {strides = array<i32>} : memref<32x256xf32, #tpu.memory_space<vmem>>, vector<1x16xf32>,
      %parallel_loop3A_375 = vector.shape_cast %parallel_loop3A_374 : vector<1x16xf32> to vector<16xf32>
      %parallel_loop3A_376 = arith.addf %parallel_loop3A_375, %add3A_46 : vector<16xf32>
      %parallel_loop3A_377 = arith.addf %parallel_loop3A_371, %parallel_loop3A_376 : vector<16xf32>
      %parallel_loop3A_378 = arith.constant 0.000000e+00 : f32
      %parallel_loop3A_379 = vector.broadcast %parallel_loop3A_378 : f32 to vector<16xf32>
      %parallel_loop3A_380 = arith.cmpf ogt, %parallel_loop3A_377, %parallel_loop3A_379 : vector<16xf32>
      %parallel_loop3A_381 = arith.constant 1 : i32
      %parallel_loop3A_382 = arith.constant 0 : i32
      %parallel_loop3A_383 = vector.broadcast %parallel_loop3A_381 : i32 to vector<16xi32>
      %parallel_loop3A_384 = vector.broadcast %parallel_loop3A_382 : i32 to vector<16xi32>
      %parallel_loop3A_385 = arith.select %parallel_loop3A_380, %parallel_loop3A_383, %parallel_loop3A_384 : vector<16xi1>, vector<16xi32>
      %parallel_loop3A_386 = arith.constant 2 : i32
      %parallel_loop3A_387 = vector.broadcast %parallel_loop3A_386 : i32 to vector<16xi32>
      %parallel_loop3A_388 = arith.andi %parallel_loop3A_340, %parallel_loop3A_387 : vector<16xi32>
      %parallel_loop3A_389 = arith.constant 0 : i32
      %parallel_loop3A_390 = vector.broadcast %parallel_loop3A_389 : i32 to vector<16xi32>
      %parallel_loop3A_391 = arith.cmpi ne, %parallel_loop3A_388, %parallel_loop3A_390 : vector<16xi32>
      %parallel_loop3A_392 = arith.select %parallel_loop3A_391, %parallel_loop3A_385, %parallel_loop3A_366 : vector<16xi1>, vector<16xi32>
      %parallel_loop3A_393 = arith.constant 1 : i32
      %parallel_loop3A_394 = vector.broadcast %parallel_loop3A_393 : i32 to vector<16xi32>
      %parallel_loop3A_395 = arith.cmpi eq, %parallel_loop3A_392, %parallel_loop3A_394 : vector<16xi32>
      %parallel_loop3A_396 = arith.select %parallel_loop3A_395, %sub3A_16, %sub3A : vector<16xi1>, vector<16xf32>
      %parallel_loop3A_397 = arith.addf %parallel_loop3A_332, %parallel_loop3A_396 : vector<16xf32>
      %parallel_loop3A_398 = arith.index_cast %parallel_loop3A_323 : i32 to index
      %parallel_loop3A_399 = arith.index_cast %parallel_loop3A_327 : i32 to index
      %parallel_loop3A_400 = tpu.vector_load %arg14[%parallel_loop3A_398, %parallel_loop3A_399] {strides = array<i32>} : memref<32x256xf32, #tpu.memory_space<vmem>>, vector<1x16xf32>,
      %parallel_loop3A_401 = vector.shape_cast %parallel_loop3A_400 : vector<1x16xf32> to vector<16xf32>
      %parallel_loop3A_402 = arith.addf %parallel_loop3A_401, %add3A_50 : vector<16xf32>
      %parallel_loop3A_403 = arith.addf %parallel_loop3A_397, %parallel_loop3A_402 : vector<16xf32>
      %parallel_loop3A_404 = arith.constant 0.000000e+00 : f32
      %parallel_loop3A_405 = vector.broadcast %parallel_loop3A_404 : f32 to vector<16xf32>
      %parallel_loop3A_406 = arith.cmpf ogt, %parallel_loop3A_403, %parallel_loop3A_405 : vector<16xf32>
      %parallel_loop3A_407 = arith.constant 1 : i32
      %parallel_loop3A_408 = arith.constant 0 : i32
      %parallel_loop3A_409 = vector.broadcast %parallel_loop3A_407 : i32 to vector<16xi32>
      %parallel_loop3A_410 = vector.broadcast %parallel_loop3A_408 : i32 to vector<16xi32>
      %parallel_loop3A_411 = arith.select %parallel_loop3A_406, %parallel_loop3A_409, %parallel_loop3A_410 : vector<16xi1>, vector<16xi32>
      %parallel_loop3A_412 = arith.constant 4 : i32
      %parallel_loop3A_413 = vector.broadcast %parallel_loop3A_412 : i32 to vector<16xi32>
      %parallel_loop3A_414 = arith.andi %parallel_loop3A_340, %parallel_loop3A_413 : vector<16xi32>
      %parallel_loop3A_415 = arith.constant 0 : i32
      %parallel_loop3A_416 = vector.broadcast %parallel_loop3A_415 : i32 to vector<16xi32>
      %parallel_loop3A_417 = arith.cmpi ne, %parallel_loop3A_414, %parallel_loop3A_416 : vector<16xi32>
      %parallel_loop3A_418 = arith.select %parallel_loop3A_417, %parallel_loop3A_411, %parallel_loop3A_392 : vector<16xi1>, vector<16xi32>
      %parallel_loop3A_419 = arith.constant 1 : i32
      %parallel_loop3A_420 = vector.broadcast %parallel_loop3A_419 : i32 to vector<16xi32>
      %parallel_loop3A_421 = arith.cmpi eq, %parallel_loop3A_418, %parallel_loop3A_420 : vector<16xi32>
      %parallel_loop3A_422 = arith.select %parallel_loop3A_421, %sub3A_16, %sub3A : vector<16xi1>, vector<16xf32>
      %parallel_loop3A_423 = arith.addf %parallel_loop3A_332, %parallel_loop3A_422 : vector<16xf32>
      %parallel_loop3A_424 = arith.addf %parallel_loop3A_423, %add3A_54 : vector<16xf32>
      %parallel_loop3A_425 = arith.constant 0.000000e+00 : f32
      %parallel_loop3A_426 = vector.broadcast %parallel_loop3A_425 : f32 to vector<16xf32>
      %parallel_loop3A_427 = arith.subf %parallel_loop3A_426, %parallel_loop3A_424 : vector<16xf32>
      %parallel_loop3A_428 = math.exp %parallel_loop3A_427 : vector<16xf32>
      %parallel_loop3A_429 = arith.constant 1.000000e+00 : f32
      %parallel_loop3A_430 = vector.broadcast %parallel_loop3A_429 : f32 to vector<16xf32>
      %parallel_loop3A_431 = arith.addf %parallel_loop3A_430, %parallel_loop3A_428 : vector<16xf32>
      %parallel_loop3A_432 = arith.constant 1.000000e+00 : f32
      %parallel_loop3A_433 = vector.broadcast %parallel_loop3A_432 : f32 to vector<16xf32>
      %parallel_loop3A_434 = arith.divf %parallel_loop3A_433, %parallel_loop3A_431 : vector<16xf32>
      %parallel_loop3A_435 = arith.index_cast %parallel_loop3A_323 : i32 to index
      %parallel_loop3A_436 = arith.index_cast %parallel_loop3A_327 : i32 to index
      %parallel_loop3A_437 = tpu.vector_load %arg22[%parallel_loop3A_435, %parallel_loop3A_436] {strides = array<i32>} : memref<32x256xf32, #tpu.memory_space<vmem>>, vector<1x16xf32>,
      %parallel_loop3A_438 = vector.shape_cast %parallel_loop3A_437 : vector<1x16xf32> to vector<16xf32>
      %parallel_loop3A_439 = vector.shape_cast %parallel_loop3A_434 : vector<16xf32> to vector<1x16xf32>
      tpu.vector_store %arg22[%parallel_loop3A_435, %parallel_loop3A_436], %parallel_loop3A_439 {strides = array<i32>} : memref<32x256xf32, #tpu.memory_space<vmem>>, vector<1x16xf32>,
    } {sc.loop_unroll_factor = 4 : i64, sc.parallel_access}
    %add3A_212 = arith.addi %mul3A_4, %add3A_154 : i32
    %dma_start3A_213 = arith.constant 0 : i32
    %dma_start3A_214 = tpu.memref_slice %arg9[%shift_right_logical3A_1, %add3A_212, %dma_start3A_213] : memref<8x256x256xf32, #tpu.memory_space<hbm>> -> memref<1x32x256xf32, #tpu.memory_space<hbm>>
    %dma_start3A_215 = tpu.memref_squeeze %dma_start3A_214 : memref<1x32x256xf32, #tpu.memory_space<hbm>> -> memref<32x256xf32, #tpu.memory_space<hbm>>
    %dma_start3A_216 = arith.constant 0 : i32
    %dma_start3A_217 = tpu.memref_slice %arg9[%shift_right_logical3A_1, %add3A_212, %dma_start3A_216] : memref<8x256x256xf32, #tpu.memory_space<hbm>> -> memref<1x32x256xf32, #tpu.memory_space<hbm>>
    %dma_start3A_218 = tpu.memref_squeeze %dma_start3A_217 : memref<1x32x256xf32, #tpu.memory_space<hbm>> -> memref<32x256xf32, #tpu.memory_space<hbm>>
    tpu.enqueue_dma source(%arg22 : memref<32x256xf32, #tpu.memory_space<vmem>>) target(%dma_start3A_218 : memref<32x256xf32, #tpu.memory_space<hbm>>) target_semaphore(%arg27 : memref<!tpu.dma_semaphore, #tpu.memory_space<semaphore_mem>>)
    %lt3A = arith.constant 0 : i32
    %lt3A_219 = arith.cmpi slt, %scan3A_150, %lt3A : i32
    %convert_element_type3A_220 = arith.extui %lt3A_219 : i1 to i32
    %cond3A_221 = arith.constant 0 : i32
    %cond3A_222 = arith.cmpi ne, %convert_element_type3A_220, %cond3A_221 : i32
    scf.if %cond3A_222 {
      %add3A_321 = arith.constant 64 : i32
      %add3A_322 = arith.addi %add3A_154, %add3A_321 : i32
      %add3A_323 = arith.addi %mul3A_4, %add3A_322 : i32
      %dma_start3A_324 = arith.constant 0 : i32
      %dma_start3A_325 = tpu.memref_slice %arg2[%shift_right_logical3A_1, %add3A_323, %dma_start3A_324] : memref<32x256x256xf32, #tpu.memory_space<hbm>> -> memref<1x32x256xf32, #tpu.memory_space<hbm>>
      %dma_start3A_326 = tpu.memref_squeeze %dma_start3A_325 : memref<1x32x256xf32, #tpu.memory_space<hbm>> -> memref<32x256xf32, #tpu.memory_space<hbm>>
      %dma_start3A_327 = arith.constant 0 : i32
      %dma_start3A_328 = tpu.memref_slice %arg2[%shift_right_logical3A_1, %add3A_323, %dma_start3A_327] : memref<32x256x256xf32, #tpu.memory_space<hbm>> -> memref<1x32x256xf32, #tpu.memory_space<hbm>>
      %dma_start3A_329 = tpu.memref_squeeze %dma_start3A_328 : memref<1x32x256xf32, #tpu.memory_space<hbm>> -> memref<32x256xf32, #tpu.memory_space<hbm>>
      tpu.enqueue_dma source(%dma_start3A_329 : memref<32x256xf32, #tpu.memory_space<hbm>>) target(%arg10 : memref<32x256xf32, #tpu.memory_space<vmem>>) target_semaphore(%arg25 : memref<!tpu.dma_semaphore, #tpu.memory_space<semaphore_mem>>)
      %add3A_330 = arith.addi %mul3A_4, %add3A_322 : i32
      %dma_start3A_331 = arith.constant 0 : i32
      %dma_start3A_332 = tpu.memref_slice %arg3[%shift_right_logical3A_1, %add3A_330, %dma_start3A_331] : memref<32x256x256xi32, #tpu.memory_space<hbm>> -> memref<1x32x256xi32, #tpu.memory_space<hbm>>
      %dma_start3A_333 = tpu.memref_squeeze %dma_start3A_332 : memref<1x32x256xi32, #tpu.memory_space<hbm>> -> memref<32x256xi32, #tpu.memory_space<hbm>>
      %dma_start3A_334 = arith.constant 0 : i32
      %dma_start3A_335 = tpu.memref_slice %arg3[%shift_right_logical3A_1, %add3A_330, %dma_start3A_334] : memref<32x256x256xi32, #tpu.memory_space<hbm>> -> memref<1x32x256xi32, #tpu.memory_space<hbm>>
      %dma_start3A_336 = tpu.memref_squeeze %dma_start3A_335 : memref<1x32x256xi32, #tpu.memory_space<hbm>> -> memref<32x256xi32, #tpu.memory_space<hbm>>
      tpu.enqueue_dma source(%dma_start3A_336 : memref<32x256xi32, #tpu.memory_space<hbm>>) target(%arg11 : memref<32x256xi32, #tpu.memory_space<vmem>>) target_semaphore(%arg25 : memref<!tpu.dma_semaphore, #tpu.memory_space<semaphore_mem>>)
      %add3A_337 = arith.addi %mul3A_4, %add3A_322 : i32
      %dma_start3A_338 = arith.constant 0 : i32
      %dma_start3A_339 = tpu.memref_slice %arg4[%shift_right_logical3A_1, %add3A_337, %dma_start3A_338] : memref<32x256x256xf32, #tpu.memory_space<hbm>> -> memref<1x32x256xf32, #tpu.memory_space<hbm>>
      %dma_start3A_340 = tpu.memref_squeeze %dma_start3A_339 : memref<1x32x256xf32, #tpu.memory_space<hbm>> -> memref<32x256xf32, #tpu.memory_space<hbm>>
      %dma_start3A_341 = arith.constant 0 : i32
      %dma_start3A_342 = tpu.memref_slice %arg4[%shift_right_logical3A_1, %add3A_337, %dma_start3A_341] : memref<32x256x256xf32, #tpu.memory_space<hbm>> -> memref<1x32x256xf32, #tpu.memory_space<hbm>>
      %dma_start3A_343 = tpu.memref_squeeze %dma_start3A_342 : memref<1x32x256xf32, #tpu.memory_space<hbm>> -> memref<32x256xf32, #tpu.memory_space<hbm>>
      tpu.enqueue_dma source(%dma_start3A_343 : memref<32x256xf32, #tpu.memory_space<hbm>>) target(%arg12 : memref<32x256xf32, #tpu.memory_space<vmem>>) target_semaphore(%arg25 : memref<!tpu.dma_semaphore, #tpu.memory_space<semaphore_mem>>)
      %add3A_344 = arith.addi %mul3A_4, %add3A_322 : i32
      %dma_start3A_345 = arith.constant 0 : i32
      %dma_start3A_346 = tpu.memref_slice %arg5[%shift_right_logical3A_1, %add3A_344, %dma_start3A_345] : memref<32x256x256xf32, #tpu.memory_space<hbm>> -> memref<1x32x256xf32, #tpu.memory_space<hbm>>
      %dma_start3A_347 = tpu.memref_squeeze %dma_start3A_346 : memref<1x32x256xf32, #tpu.memory_space<hbm>> -> memref<32x256xf32, #tpu.memory_space<hbm>>
      %dma_start3A_348 = arith.constant 0 : i32
      %dma_start3A_349 = tpu.memref_slice %arg5[%shift_right_logical3A_1, %add3A_344, %dma_start3A_348] : memref<32x256x256xf32, #tpu.memory_space<hbm>> -> memref<1x32x256xf32, #tpu.memory_space<hbm>>
      %dma_start3A_350 = tpu.memref_squeeze %dma_start3A_349 : memref<1x32x256xf32, #tpu.memory_space<hbm>> -> memref<32x256xf32, #tpu.memory_space<hbm>>
      tpu.enqueue_dma source(%dma_start3A_350 : memref<32x256xf32, #tpu.memory_space<hbm>>) target(%arg13 : memref<32x256xf32, #tpu.memory_space<vmem>>) target_semaphore(%arg25 : memref<!tpu.dma_semaphore, #tpu.memory_space<semaphore_mem>>)
      %add3A_351 = arith.addi %mul3A_4, %add3A_322 : i32
      %dma_start3A_352 = arith.constant 0 : i32
      %dma_start3A_353 = tpu.memref_slice %arg6[%shift_right_logical3A_1, %add3A_351, %dma_start3A_352] : memref<32x256x256xf32, #tpu.memory_space<hbm>> -> memref<1x32x256xf32, #tpu.memory_space<hbm>>
      %dma_start3A_354 = tpu.memref_squeeze %dma_start3A_353 : memref<1x32x256xf32, #tpu.memory_space<hbm>> -> memref<32x256xf32, #tpu.memory_space<hbm>>
      %dma_start3A_355 = arith.constant 0 : i32
      %dma_start3A_356 = tpu.memref_slice %arg6[%shift_right_logical3A_1, %add3A_351, %dma_start3A_355] : memref<32x256x256xf32, #tpu.memory_space<hbm>> -> memref<1x32x256xf32, #tpu.memory_space<hbm>>
      %dma_start3A_357 = tpu.memref_squeeze %dma_start3A_356 : memref<1x32x256xf32, #tpu.memory_space<hbm>> -> memref<32x256xf32, #tpu.memory_space<hbm>>
      tpu.enqueue_dma source(%dma_start3A_357 : memref<32x256xf32, #tpu.memory_space<hbm>>) target(%arg14 : memref<32x256xf32, #tpu.memory_space<vmem>>) target_semaphore(%arg25 : memref<!tpu.dma_semaphore, #tpu.memory_space<semaphore_mem>>)
      %add3A_358 = arith.addi %mul3A_4, %add3A_322 : i32
      %dma_start3A_359 = arith.constant 0 : i32
      %dma_start3A_360 = tpu.memref_slice %arg7[%shift_right_logical3A_1, %add3A_358, %dma_start3A_359] : memref<32x256x256xi32, #tpu.memory_space<hbm>> -> memref<1x32x256xi32, #tpu.memory_space<hbm>>
      %dma_start3A_361 = tpu.memref_squeeze %dma_start3A_360 : memref<1x32x256xi32, #tpu.memory_space<hbm>> -> memref<32x256xi32, #tpu.memory_space<hbm>>
      %dma_start3A_362 = arith.constant 0 : i32
      %dma_start3A_363 = tpu.memref_slice %arg7[%shift_right_logical3A_1, %add3A_358, %dma_start3A_362] : memref<32x256x256xi32, #tpu.memory_space<hbm>> -> memref<1x32x256xi32, #tpu.memory_space<hbm>>
      %dma_start3A_364 = tpu.memref_squeeze %dma_start3A_363 : memref<1x32x256xi32, #tpu.memory_space<hbm>> -> memref<32x256xi32, #tpu.memory_space<hbm>>
      tpu.enqueue_dma source(%dma_start3A_364 : memref<32x256xi32, #tpu.memory_space<hbm>>) target(%arg15 : memref<32x256xi32, #tpu.memory_space<vmem>>) target_semaphore(%arg25 : memref<!tpu.dma_semaphore, #tpu.memory_space<semaphore_mem>>)
    } else {
    }
    %mul3A_223 = arith.constant 64 : i32
    %mul3A_224 = arith.muli %scan3A_150, %mul3A_223 : i32
    %add3A_225 = arith.constant 32 : i32
    %add3A_226 = arith.addi %mul3A_224, %add3A_225 : i32
    %dma_wait3A_227 = arith.constant 0 : i32
    %dma_wait3A_228 = arith.constant 0 : i32
    %dma_wait3A_229 = arith.constant 0 : i32
    %dma_wait3A_230 = tpu.memref_slice %arg2[%dma_wait3A_227, %dma_wait3A_228, %dma_wait3A_229] : memref<32x256x256xf32, #tpu.memory_space<hbm>> -> memref<1x32x256xf32, #tpu.memory_space<hbm>>
    %dma_wait3A_231 = tpu.memref_squeeze %dma_wait3A_230 : memref<1x32x256xf32, #tpu.memory_space<hbm>> -> memref<32x256xf32, #tpu.memory_space<hbm>>
    %dma_wait3A_232 = arith.constant 0 : i32
    %dma_wait3A_233 = arith.constant 0 : i32
    %dma_wait3A_234 = tpu.memref_slice %arg2[%dma_wait3A_227, %dma_wait3A_232, %dma_wait3A_233] : memref<32x256x256xf32, #tpu.memory_space<hbm>> -> memref<1x32x256xf32, #tpu.memory_space<hbm>>
    %dma_wait3A_235 = tpu.memref_squeeze %dma_wait3A_234 : memref<1x32x256xf32, #tpu.memory_space<hbm>> -> memref<32x256xf32, #tpu.memory_space<hbm>>
    tpu.wait_dma2 semaphore(%arg26 : memref<!tpu.dma_semaphore, #tpu.memory_space<semaphore_mem>>) src(%dma_wait3A_235 : memref<32x256xf32, #tpu.memory_space<hbm>>) dst(%arg16 : memref<32x256xf32, #tpu.memory_space<vmem>>)
    %dma_wait3A_236 = arith.constant 0 : i32
    %dma_wait3A_237 = arith.constant 0 : i32
    %dma_wait3A_238 = arith.constant 0 : i32
    %dma_wait3A_239 = tpu.memref_slice %arg3[%dma_wait3A_236, %dma_wait3A_237, %dma_wait3A_238] : memref<32x256x256xi32, #tpu.memory_space<hbm>> -> memref<1x32x256xi32, #tpu.memory_space<hbm>>
    %dma_wait3A_240 = tpu.memref_squeeze %dma_wait3A_239 : memref<1x32x256xi32, #tpu.memory_space<hbm>> -> memref<32x256xi32, #tpu.memory_space<hbm>>
    %dma_wait3A_241 = arith.constant 0 : i32
    %dma_wait3A_242 = arith.constant 0 : i32
    %dma_wait3A_243 = tpu.memref_slice %arg3[%dma_wait3A_236, %dma_wait3A_241, %dma_wait3A_242] : memref<32x256x256xi32, #tpu.memory_space<hbm>> -> memref<1x32x256xi32, #tpu.memory_space<hbm>>
    %dma_wait3A_244 = tpu.memref_squeeze %dma_wait3A_243 : memref<1x32x256xi32, #tpu.memory_space<hbm>> -> memref<32x256xi32, #tpu.memory_space<hbm>>
    tpu.wait_dma2 semaphore(%arg26 : memref<!tpu.dma_semaphore, #tpu.memory_space<semaphore_mem>>) src(%dma_wait3A_244 : memref<32x256xi32, #tpu.memory_space<hbm>>) dst(%arg17 : memref<32x256xi32, #tpu.memory_space<vmem>>)
    %dma_wait3A_245 = arith.constant 0 : i32
    %dma_wait3A_246 = arith.constant 0 : i32
    %dma_wait3A_247 = arith.constant 0 : i32
    %dma_wait3A_248 = tpu.memref_slice %arg4[%dma_wait3A_245, %dma_wait3A_246, %dma_wait3A_247] : memref<32x256x256xf32, #tpu.memory_space<hbm>> -> memref<1x32x256xf32, #tpu.memory_space<hbm>>
    %dma_wait3A_249 = tpu.memref_squeeze %dma_wait3A_248 : memref<1x32x256xf32, #tpu.memory_space<hbm>> -> memref<32x256xf32, #tpu.memory_space<hbm>>
    %dma_wait3A_250 = arith.constant 0 : i32
    %dma_wait3A_251 = arith.constant 0 : i32
    %dma_wait3A_252 = tpu.memref_slice %arg4[%dma_wait3A_245, %dma_wait3A_250, %dma_wait3A_251] : memref<32x256x256xf32, #tpu.memory_space<hbm>> -> memref<1x32x256xf32, #tpu.memory_space<hbm>>
    %dma_wait3A_253 = tpu.memref_squeeze %dma_wait3A_252 : memref<1x32x256xf32, #tpu.memory_space<hbm>> -> memref<32x256xf32, #tpu.memory_space<hbm>>
    tpu.wait_dma2 semaphore(%arg26 : memref<!tpu.dma_semaphore, #tpu.memory_space<semaphore_mem>>) src(%dma_wait3A_253 : memref<32x256xf32, #tpu.memory_space<hbm>>) dst(%arg18 : memref<32x256xf32, #tpu.memory_space<vmem>>)
    %dma_wait3A_254 = arith.constant 0 : i32
    %dma_wait3A_255 = arith.constant 0 : i32
    %dma_wait3A_256 = arith.constant 0 : i32
    %dma_wait3A_257 = tpu.memref_slice %arg5[%dma_wait3A_254, %dma_wait3A_255, %dma_wait3A_256] : memref<32x256x256xf32, #tpu.memory_space<hbm>> -> memref<1x32x256xf32, #tpu.memory_space<hbm>>
    %dma_wait3A_258 = tpu.memref_squeeze %dma_wait3A_257 : memref<1x32x256xf32, #tpu.memory_space<hbm>> -> memref<32x256xf32, #tpu.memory_space<hbm>>
    %dma_wait3A_259 = arith.constant 0 : i32
    %dma_wait3A_260 = arith.constant 0 : i32
    %dma_wait3A_261 = tpu.memref_slice %arg5[%dma_wait3A_254, %dma_wait3A_259, %dma_wait3A_260] : memref<32x256x256xf32, #tpu.memory_space<hbm>> -> memref<1x32x256xf32, #tpu.memory_space<hbm>>
    %dma_wait3A_262 = tpu.memref_squeeze %dma_wait3A_261 : memref<1x32x256xf32, #tpu.memory_space<hbm>> -> memref<32x256xf32, #tpu.memory_space<hbm>>
    tpu.wait_dma2 semaphore(%arg26 : memref<!tpu.dma_semaphore, #tpu.memory_space<semaphore_mem>>) src(%dma_wait3A_262 : memref<32x256xf32, #tpu.memory_space<hbm>>) dst(%arg19 : memref<32x256xf32, #tpu.memory_space<vmem>>)
    %dma_wait3A_263 = arith.constant 0 : i32
    %dma_wait3A_264 = arith.constant 0 : i32
    %dma_wait3A_265 = arith.constant 0 : i32
    %dma_wait3A_266 = tpu.memref_slice %arg6[%dma_wait3A_263, %dma_wait3A_264, %dma_wait3A_265] : memref<32x256x256xf32, #tpu.memory_space<hbm>> -> memref<1x32x256xf32, #tpu.memory_space<hbm>>
    %dma_wait3A_267 = tpu.memref_squeeze %dma_wait3A_266 : memref<1x32x256xf32, #tpu.memory_space<hbm>> -> memref<32x256xf32, #tpu.memory_space<hbm>>
    %dma_wait3A_268 = arith.constant 0 : i32
    %dma_wait3A_269 = arith.constant 0 : i32
    %dma_wait3A_270 = tpu.memref_slice %arg6[%dma_wait3A_263, %dma_wait3A_268, %dma_wait3A_269] : memref<32x256x256xf32, #tpu.memory_space<hbm>> -> memref<1x32x256xf32, #tpu.memory_space<hbm>>
    %dma_wait3A_271 = tpu.memref_squeeze %dma_wait3A_270 : memref<1x32x256xf32, #tpu.memory_space<hbm>> -> memref<32x256xf32, #tpu.memory_space<hbm>>
    tpu.wait_dma2 semaphore(%arg26 : memref<!tpu.dma_semaphore, #tpu.memory_space<semaphore_mem>>) src(%dma_wait3A_271 : memref<32x256xf32, #tpu.memory_space<hbm>>) dst(%arg20 : memref<32x256xf32, #tpu.memory_space<vmem>>)
    %dma_wait3A_272 = arith.constant 0 : i32
    %dma_wait3A_273 = arith.constant 0 : i32
    %dma_wait3A_274 = arith.constant 0 : i32
    %dma_wait3A_275 = tpu.memref_slice %arg7[%dma_wait3A_272, %dma_wait3A_273, %dma_wait3A_274] : memref<32x256x256xi32, #tpu.memory_space<hbm>> -> memref<1x32x256xi32, #tpu.memory_space<hbm>>
    %dma_wait3A_276 = tpu.memref_squeeze %dma_wait3A_275 : memref<1x32x256xi32, #tpu.memory_space<hbm>> -> memref<32x256xi32, #tpu.memory_space<hbm>>
    %dma_wait3A_277 = arith.constant 0 : i32
    %dma_wait3A_278 = arith.constant 0 : i32
    %dma_wait3A_279 = tpu.memref_slice %arg7[%dma_wait3A_272, %dma_wait3A_277, %dma_wait3A_278] : memref<32x256x256xi32, #tpu.memory_space<hbm>> -> memref<1x32x256xi32, #tpu.memory_space<hbm>>
    %dma_wait3A_280 = tpu.memref_squeeze %dma_wait3A_279 : memref<1x32x256xi32, #tpu.memory_space<hbm>> -> memref<32x256xi32, #tpu.memory_space<hbm>>
    tpu.wait_dma2 semaphore(%arg26 : memref<!tpu.dma_semaphore, #tpu.memory_space<semaphore_mem>>) src(%dma_wait3A_280 : memref<32x256xi32, #tpu.memory_space<hbm>>) dst(%arg21 : memref<32x256xi32, #tpu.memory_space<vmem>>)
    %gt3A_281 = arith.constant 0 : i32
    %gt3A_282 = arith.cmpi sgt, %scan3A_150, %gt3A_281 : i32
    %convert_element_type3A_283 = arith.extui %gt3A_282 : i1 to i32
    %cond3A_284 = arith.constant 0 : i32
    %cond3A_285 = arith.cmpi ne, %convert_element_type3A_283, %cond3A_284 : i32
    scf.if %cond3A_285 {
      %dma_wait3A_321 = arith.constant 0 : i32
      %dma_wait3A_322 = arith.constant 0 : i32
      %dma_wait3A_323 = arith.constant 0 : i32
      %dma_wait3A_324 = tpu.memref_slice %arg9[%dma_wait3A_321, %dma_wait3A_322, %dma_wait3A_323] : memref<8x256x256xf32, #tpu.memory_space<hbm>> -> memref<1x32x256xf32, #tpu.memory_space<hbm>>
      %dma_wait3A_325 = tpu.memref_squeeze %dma_wait3A_324 : memref<1x32x256xf32, #tpu.memory_space<hbm>> -> memref<32x256xf32, #tpu.memory_space<hbm>>
      %dma_wait3A_326 = arith.constant 0 : i32
      %dma_wait3A_327 = arith.constant 0 : i32
      %dma_wait3A_328 = tpu.memref_slice %arg9[%dma_wait3A_321, %dma_wait3A_326, %dma_wait3A_327] : memref<8x256x256xf32, #tpu.memory_space<hbm>> -> memref<1x32x256xf32, #tpu.memory_space<hbm>>
      %dma_wait3A_329 = tpu.memref_squeeze %dma_wait3A_328 : memref<1x32x256xf32, #tpu.memory_space<hbm>> -> memref<32x256xf32, #tpu.memory_space<hbm>>
      tpu.wait_dma2 semaphore(%arg28 : memref<!tpu.dma_semaphore, #tpu.memory_space<semaphore_mem>>) src(%dma_wait3A_329 : memref<32x256xf32, #tpu.memory_space<hbm>>) dst(%arg23 : memref<32x256xf32, #tpu.memory_space<vmem>>)
    } else {
    }
    %parallel_loop3A_286 = arith.constant 0 : i32
    %parallel_loop3A_287 = arith.constant 512 : i32
    %parallel_loop3A_288 = arith.constant 1 : i32
    scf.for %parallel_loop3A_321 = %parallel_loop3A_286 to %parallel_loop3A_287 step %parallel_loop3A_288  : i32 {
      %parallel_loop3A_322 = arith.constant 4 : i32
      %parallel_loop3A_323 = arith.shrui %parallel_loop3A_321, %parallel_loop3A_322 : i32
      %parallel_loop3A_324 = arith.constant 15 : i32
      %parallel_loop3A_325 = arith.andi %parallel_loop3A_321, %parallel_loop3A_324 : i32
      %parallel_loop3A_326 = arith.constant 16 : i32
      %parallel_loop3A_327 = arith.muli %parallel_loop3A_325, %parallel_loop3A_326 : i32
      %parallel_loop3A_328 = arith.index_cast %parallel_loop3A_323 : i32 to index
      %parallel_loop3A_329 = arith.index_cast %parallel_loop3A_327 : i32 to index
      %parallel_loop3A_330 = tpu.vector_load %arg16[%parallel_loop3A_328, %parallel_loop3A_329] {strides = array<i32>} : memref<32x256xf32, #tpu.memory_space<vmem>>, vector<1x16xf32>,
      %parallel_loop3A_331 = vector.shape_cast %parallel_loop3A_330 : vector<1x16xf32> to vector<16xf32>
      %parallel_loop3A_332 = arith.mulf %sub3A_24, %parallel_loop3A_331 : vector<16xf32>
      %parallel_loop3A_333 = arith.index_cast %parallel_loop3A_323 : i32 to index
      %parallel_loop3A_334 = arith.index_cast %parallel_loop3A_327 : i32 to index
      %parallel_loop3A_335 = tpu.vector_load %arg17[%parallel_loop3A_333, %parallel_loop3A_334] {strides = array<i32>} : memref<32x256xi32, #tpu.memory_space<vmem>>, vector<1x16xi32>,
      %parallel_loop3A_336 = vector.shape_cast %parallel_loop3A_335 : vector<1x16xi32> to vector<16xi32>
      %parallel_loop3A_337 = arith.index_cast %parallel_loop3A_323 : i32 to index
      %parallel_loop3A_338 = arith.index_cast %parallel_loop3A_327 : i32 to index
      %parallel_loop3A_339 = tpu.vector_load %arg21[%parallel_loop3A_337, %parallel_loop3A_338] {strides = array<i32>} : memref<32x256xi32, #tpu.memory_space<vmem>>, vector<1x16xi32>,
      %parallel_loop3A_340 = vector.shape_cast %parallel_loop3A_339 : vector<1x16xi32> to vector<16xi32>
      %parallel_loop3A_341 = arith.constant 1 : i32
      %parallel_loop3A_342 = vector.broadcast %parallel_loop3A_341 : i32 to vector<16xi32>
      %parallel_loop3A_343 = arith.cmpi eq, %parallel_loop3A_336, %parallel_loop3A_342 : vector<16xi32>
      %parallel_loop3A_344 = arith.select %parallel_loop3A_343, %sub3A_16, %sub3A : vector<16xi1>, vector<16xf32>
      %parallel_loop3A_345 = arith.addf %parallel_loop3A_332, %parallel_loop3A_344 : vector<16xf32>
      %parallel_loop3A_346 = arith.index_cast %parallel_loop3A_323 : i32 to index
      %parallel_loop3A_347 = arith.index_cast %parallel_loop3A_327 : i32 to index
      %parallel_loop3A_348 = tpu.vector_load %arg18[%parallel_loop3A_346, %parallel_loop3A_347] {strides = array<i32>} : memref<32x256xf32, #tpu.memory_space<vmem>>, vector<1x16xf32>,
      %parallel_loop3A_349 = vector.shape_cast %parallel_loop3A_348 : vector<1x16xf32> to vector<16xf32>
      %parallel_loop3A_350 = arith.addf %parallel_loop3A_349, %add3A_42 : vector<16xf32>
      %parallel_loop3A_351 = arith.addf %parallel_loop3A_345, %parallel_loop3A_350 : vector<16xf32>
      %parallel_loop3A_352 = arith.constant 0.000000e+00 : f32
      %parallel_loop3A_353 = vector.broadcast %parallel_loop3A_352 : f32 to vector<16xf32>
      %parallel_loop3A_354 = arith.cmpf ogt, %parallel_loop3A_351, %parallel_loop3A_353 : vector<16xf32>
      %parallel_loop3A_355 = arith.constant 1 : i32
      %parallel_loop3A_356 = arith.constant 0 : i32
      %parallel_loop3A_357 = vector.broadcast %parallel_loop3A_355 : i32 to vector<16xi32>
      %parallel_loop3A_358 = vector.broadcast %parallel_loop3A_356 : i32 to vector<16xi32>
      %parallel_loop3A_359 = arith.select %parallel_loop3A_354, %parallel_loop3A_357, %parallel_loop3A_358 : vector<16xi1>, vector<16xi32>
      %parallel_loop3A_360 = arith.constant 1 : i32
      %parallel_loop3A_361 = vector.broadcast %parallel_loop3A_360 : i32 to vector<16xi32>
      %parallel_loop3A_362 = arith.andi %parallel_loop3A_340, %parallel_loop3A_361 : vector<16xi32>
      %parallel_loop3A_363 = arith.constant 0 : i32
      %parallel_loop3A_364 = vector.broadcast %parallel_loop3A_363 : i32 to vector<16xi32>
      %parallel_loop3A_365 = arith.cmpi ne, %parallel_loop3A_362, %parallel_loop3A_364 : vector<16xi32>
      %parallel_loop3A_366 = arith.select %parallel_loop3A_365, %parallel_loop3A_359, %parallel_loop3A_336 : vector<16xi1>, vector<16xi32>
      %parallel_loop3A_367 = arith.constant 1 : i32
      %parallel_loop3A_368 = vector.broadcast %parallel_loop3A_367 : i32 to vector<16xi32>
      %parallel_loop3A_369 = arith.cmpi eq, %parallel_loop3A_366, %parallel_loop3A_368 : vector<16xi32>
      %parallel_loop3A_370 = arith.select %parallel_loop3A_369, %sub3A_16, %sub3A : vector<16xi1>, vector<16xf32>
      %parallel_loop3A_371 = arith.addf %parallel_loop3A_332, %parallel_loop3A_370 : vector<16xf32>
      %parallel_loop3A_372 = arith.index_cast %parallel_loop3A_323 : i32 to index
      %parallel_loop3A_373 = arith.index_cast %parallel_loop3A_327 : i32 to index
      %parallel_loop3A_374 = tpu.vector_load %arg19[%parallel_loop3A_372, %parallel_loop3A_373] {strides = array<i32>} : memref<32x256xf32, #tpu.memory_space<vmem>>, vector<1x16xf32>,
      %parallel_loop3A_375 = vector.shape_cast %parallel_loop3A_374 : vector<1x16xf32> to vector<16xf32>
      %parallel_loop3A_376 = arith.addf %parallel_loop3A_375, %add3A_46 : vector<16xf32>
      %parallel_loop3A_377 = arith.addf %parallel_loop3A_371, %parallel_loop3A_376 : vector<16xf32>
      %parallel_loop3A_378 = arith.constant 0.000000e+00 : f32
      %parallel_loop3A_379 = vector.broadcast %parallel_loop3A_378 : f32 to vector<16xf32>
      %parallel_loop3A_380 = arith.cmpf ogt, %parallel_loop3A_377, %parallel_loop3A_379 : vector<16xf32>
      %parallel_loop3A_381 = arith.constant 1 : i32
      %parallel_loop3A_382 = arith.constant 0 : i32
      %parallel_loop3A_383 = vector.broadcast %parallel_loop3A_381 : i32 to vector<16xi32>
      %parallel_loop3A_384 = vector.broadcast %parallel_loop3A_382 : i32 to vector<16xi32>
      %parallel_loop3A_385 = arith.select %parallel_loop3A_380, %parallel_loop3A_383, %parallel_loop3A_384 : vector<16xi1>, vector<16xi32>
      %parallel_loop3A_386 = arith.constant 2 : i32
      %parallel_loop3A_387 = vector.broadcast %parallel_loop3A_386 : i32 to vector<16xi32>
      %parallel_loop3A_388 = arith.andi %parallel_loop3A_340, %parallel_loop3A_387 : vector<16xi32>
      %parallel_loop3A_389 = arith.constant 0 : i32
      %parallel_loop3A_390 = vector.broadcast %parallel_loop3A_389 : i32 to vector<16xi32>
      %parallel_loop3A_391 = arith.cmpi ne, %parallel_loop3A_388, %parallel_loop3A_390 : vector<16xi32>
      %parallel_loop3A_392 = arith.select %parallel_loop3A_391, %parallel_loop3A_385, %parallel_loop3A_366 : vector<16xi1>, vector<16xi32>
      %parallel_loop3A_393 = arith.constant 1 : i32
      %parallel_loop3A_394 = vector.broadcast %parallel_loop3A_393 : i32 to vector<16xi32>
      %parallel_loop3A_395 = arith.cmpi eq, %parallel_loop3A_392, %parallel_loop3A_394 : vector<16xi32>
      %parallel_loop3A_396 = arith.select %parallel_loop3A_395, %sub3A_16, %sub3A : vector<16xi1>, vector<16xf32>
      %parallel_loop3A_397 = arith.addf %parallel_loop3A_332, %parallel_loop3A_396 : vector<16xf32>
      %parallel_loop3A_398 = arith.index_cast %parallel_loop3A_323 : i32 to index
      %parallel_loop3A_399 = arith.index_cast %parallel_loop3A_327 : i32 to index
      %parallel_loop3A_400 = tpu.vector_load %arg20[%parallel_loop3A_398, %parallel_loop3A_399] {strides = array<i32>} : memref<32x256xf32, #tpu.memory_space<vmem>>, vector<1x16xf32>,
      %parallel_loop3A_401 = vector.shape_cast %parallel_loop3A_400 : vector<1x16xf32> to vector<16xf32>
      %parallel_loop3A_402 = arith.addf %parallel_loop3A_401, %add3A_50 : vector<16xf32>
      %parallel_loop3A_403 = arith.addf %parallel_loop3A_397, %parallel_loop3A_402 : vector<16xf32>
      %parallel_loop3A_404 = arith.constant 0.000000e+00 : f32
      %parallel_loop3A_405 = vector.broadcast %parallel_loop3A_404 : f32 to vector<16xf32>
      %parallel_loop3A_406 = arith.cmpf ogt, %parallel_loop3A_403, %parallel_loop3A_405 : vector<16xf32>
      %parallel_loop3A_407 = arith.constant 1 : i32
      %parallel_loop3A_408 = arith.constant 0 : i32
      %parallel_loop3A_409 = vector.broadcast %parallel_loop3A_407 : i32 to vector<16xi32>
      %parallel_loop3A_410 = vector.broadcast %parallel_loop3A_408 : i32 to vector<16xi32>
      %parallel_loop3A_411 = arith.select %parallel_loop3A_406, %parallel_loop3A_409, %parallel_loop3A_410 : vector<16xi1>, vector<16xi32>
      %parallel_loop3A_412 = arith.constant 4 : i32
      %parallel_loop3A_413 = vector.broadcast %parallel_loop3A_412 : i32 to vector<16xi32>
      %parallel_loop3A_414 = arith.andi %parallel_loop3A_340, %parallel_loop3A_413 : vector<16xi32>
      %parallel_loop3A_415 = arith.constant 0 : i32
      %parallel_loop3A_416 = vector.broadcast %parallel_loop3A_415 : i32 to vector<16xi32>
      %parallel_loop3A_417 = arith.cmpi ne, %parallel_loop3A_414, %parallel_loop3A_416 : vector<16xi32>
      %parallel_loop3A_418 = arith.select %parallel_loop3A_417, %parallel_loop3A_411, %parallel_loop3A_392 : vector<16xi1>, vector<16xi32>
      %parallel_loop3A_419 = arith.constant 1 : i32
      %parallel_loop3A_420 = vector.broadcast %parallel_loop3A_419 : i32 to vector<16xi32>
      %parallel_loop3A_421 = arith.cmpi eq, %parallel_loop3A_418, %parallel_loop3A_420 : vector<16xi32>
      %parallel_loop3A_422 = arith.select %parallel_loop3A_421, %sub3A_16, %sub3A : vector<16xi1>, vector<16xf32>
      %parallel_loop3A_423 = arith.addf %parallel_loop3A_332, %parallel_loop3A_422 : vector<16xf32>
      %parallel_loop3A_424 = arith.addf %parallel_loop3A_423, %add3A_54 : vector<16xf32>
      %parallel_loop3A_425 = arith.constant 0.000000e+00 : f32
      %parallel_loop3A_426 = vector.broadcast %parallel_loop3A_425 : f32 to vector<16xf32>
      %parallel_loop3A_427 = arith.subf %parallel_loop3A_426, %parallel_loop3A_424 : vector<16xf32>
      %parallel_loop3A_428 = math.exp %parallel_loop3A_427 : vector<16xf32>
      %parallel_loop3A_429 = arith.constant 1.000000e+00 : f32
      %parallel_loop3A_430 = vector.broadcast %parallel_loop3A_429 : f32 to vector<16xf32>
      %parallel_loop3A_431 = arith.addf %parallel_loop3A_430, %parallel_loop3A_428 : vector<16xf32>
      %parallel_loop3A_432 = arith.constant 1.000000e+00 : f32
      %parallel_loop3A_433 = vector.broadcast %parallel_loop3A_432 : f32 to vector<16xf32>
      %parallel_loop3A_434 = arith.divf %parallel_loop3A_433, %parallel_loop3A_431 : vector<16xf32>
      %parallel_loop3A_435 = arith.index_cast %parallel_loop3A_323 : i32 to index
      %parallel_loop3A_436 = arith.index_cast %parallel_loop3A_327 : i32 to index
      %parallel_loop3A_437 = tpu.vector_load %arg23[%parallel_loop3A_435, %parallel_loop3A_436] {strides = array<i32>} : memref<32x256xf32, #tpu.memory_space<vmem>>, vector<1x16xf32>,
      %parallel_loop3A_438 = vector.shape_cast %parallel_loop3A_437 : vector<1x16xf32> to vector<16xf32>
      %parallel_loop3A_439 = vector.shape_cast %parallel_loop3A_434 : vector<16xf32> to vector<1x16xf32>
      tpu.vector_store %arg23[%parallel_loop3A_435, %parallel_loop3A_436], %parallel_loop3A_439 {strides = array<i32>} : memref<32x256xf32, #tpu.memory_space<vmem>>, vector<1x16xf32>,
    } {sc.loop_unroll_factor = 4 : i64, sc.parallel_access}
    %add3A_289 = arith.addi %mul3A_4, %add3A_226 : i32
    %dma_start3A_290 = arith.constant 0 : i32
    %dma_start3A_291 = tpu.memref_slice %arg9[%shift_right_logical3A_1, %add3A_289, %dma_start3A_290] : memref<8x256x256xf32, #tpu.memory_space<hbm>> -> memref<1x32x256xf32, #tpu.memory_space<hbm>>
    %dma_start3A_292 = tpu.memref_squeeze %dma_start3A_291 : memref<1x32x256xf32, #tpu.memory_space<hbm>> -> memref<32x256xf32, #tpu.memory_space<hbm>>
    %dma_start3A_293 = arith.constant 0 : i32
    %dma_start3A_294 = tpu.memref_slice %arg9[%shift_right_logical3A_1, %add3A_289, %dma_start3A_293] : memref<8x256x256xf32, #tpu.memory_space<hbm>> -> memref<1x32x256xf32, #tpu.memory_space<hbm>>
    %dma_start3A_295 = tpu.memref_squeeze %dma_start3A_294 : memref<1x32x256xf32, #tpu.memory_space<hbm>> -> memref<32x256xf32, #tpu.memory_space<hbm>>
    tpu.enqueue_dma source(%arg23 : memref<32x256xf32, #tpu.memory_space<vmem>>) target(%dma_start3A_295 : memref<32x256xf32, #tpu.memory_space<hbm>>) target_semaphore(%arg28 : memref<!tpu.dma_semaphore, #tpu.memory_space<semaphore_mem>>)
    %lt3A_296 = arith.constant 0 : i32
    %lt3A_297 = arith.cmpi slt, %scan3A_150, %lt3A_296 : i32
    %convert_element_type3A_298 = arith.extui %lt3A_297 : i1 to i32
    %cond3A_299 = arith.constant 0 : i32
    %cond3A_300 = arith.cmpi ne, %convert_element_type3A_298, %cond3A_299 : i32
    scf.if %cond3A_300 {
      %add3A_321 = arith.constant 64 : i32
      %add3A_322 = arith.addi %add3A_226, %add3A_321 : i32
      %add3A_323 = arith.addi %mul3A_4, %add3A_322 : i32
      %dma_start3A_324 = arith.constant 0 : i32
      %dma_start3A_325 = tpu.memref_slice %arg2[%shift_right_logical3A_1, %add3A_323, %dma_start3A_324] : memref<32x256x256xf32, #tpu.memory_space<hbm>> -> memref<1x32x256xf32, #tpu.memory_space<hbm>>
      %dma_start3A_326 = tpu.memref_squeeze %dma_start3A_325 : memref<1x32x256xf32, #tpu.memory_space<hbm>> -> memref<32x256xf32, #tpu.memory_space<hbm>>
      %dma_start3A_327 = arith.constant 0 : i32
      %dma_start3A_328 = tpu.memref_slice %arg2[%shift_right_logical3A_1, %add3A_323, %dma_start3A_327] : memref<32x256x256xf32, #tpu.memory_space<hbm>> -> memref<1x32x256xf32, #tpu.memory_space<hbm>>
      %dma_start3A_329 = tpu.memref_squeeze %dma_start3A_328 : memref<1x32x256xf32, #tpu.memory_space<hbm>> -> memref<32x256xf32, #tpu.memory_space<hbm>>
      tpu.enqueue_dma source(%dma_start3A_329 : memref<32x256xf32, #tpu.memory_space<hbm>>) target(%arg16 : memref<32x256xf32, #tpu.memory_space<vmem>>) target_semaphore(%arg26 : memref<!tpu.dma_semaphore, #tpu.memory_space<semaphore_mem>>)
      %add3A_330 = arith.addi %mul3A_4, %add3A_322 : i32
      %dma_start3A_331 = arith.constant 0 : i32
      %dma_start3A_332 = tpu.memref_slice %arg3[%shift_right_logical3A_1, %add3A_330, %dma_start3A_331] : memref<32x256x256xi32, #tpu.memory_space<hbm>> -> memref<1x32x256xi32, #tpu.memory_space<hbm>>
      %dma_start3A_333 = tpu.memref_squeeze %dma_start3A_332 : memref<1x32x256xi32, #tpu.memory_space<hbm>> -> memref<32x256xi32, #tpu.memory_space<hbm>>
      %dma_start3A_334 = arith.constant 0 : i32
      %dma_start3A_335 = tpu.memref_slice %arg3[%shift_right_logical3A_1, %add3A_330, %dma_start3A_334] : memref<32x256x256xi32, #tpu.memory_space<hbm>> -> memref<1x32x256xi32, #tpu.memory_space<hbm>>
      %dma_start3A_336 = tpu.memref_squeeze %dma_start3A_335 : memref<1x32x256xi32, #tpu.memory_space<hbm>> -> memref<32x256xi32, #tpu.memory_space<hbm>>
      tpu.enqueue_dma source(%dma_start3A_336 : memref<32x256xi32, #tpu.memory_space<hbm>>) target(%arg17 : memref<32x256xi32, #tpu.memory_space<vmem>>) target_semaphore(%arg26 : memref<!tpu.dma_semaphore, #tpu.memory_space<semaphore_mem>>)
      %add3A_337 = arith.addi %mul3A_4, %add3A_322 : i32
      %dma_start3A_338 = arith.constant 0 : i32
      %dma_start3A_339 = tpu.memref_slice %arg4[%shift_right_logical3A_1, %add3A_337, %dma_start3A_338] : memref<32x256x256xf32, #tpu.memory_space<hbm>> -> memref<1x32x256xf32, #tpu.memory_space<hbm>>
      %dma_start3A_340 = tpu.memref_squeeze %dma_start3A_339 : memref<1x32x256xf32, #tpu.memory_space<hbm>> -> memref<32x256xf32, #tpu.memory_space<hbm>>
      %dma_start3A_341 = arith.constant 0 : i32
      %dma_start3A_342 = tpu.memref_slice %arg4[%shift_right_logical3A_1, %add3A_337, %dma_start3A_341] : memref<32x256x256xf32, #tpu.memory_space<hbm>> -> memref<1x32x256xf32, #tpu.memory_space<hbm>>
      %dma_start3A_343 = tpu.memref_squeeze %dma_start3A_342 : memref<1x32x256xf32, #tpu.memory_space<hbm>> -> memref<32x256xf32, #tpu.memory_space<hbm>>
      tpu.enqueue_dma source(%dma_start3A_343 : memref<32x256xf32, #tpu.memory_space<hbm>>) target(%arg18 : memref<32x256xf32, #tpu.memory_space<vmem>>) target_semaphore(%arg26 : memref<!tpu.dma_semaphore, #tpu.memory_space<semaphore_mem>>)
      %add3A_344 = arith.addi %mul3A_4, %add3A_322 : i32
      %dma_start3A_345 = arith.constant 0 : i32
      %dma_start3A_346 = tpu.memref_slice %arg5[%shift_right_logical3A_1, %add3A_344, %dma_start3A_345] : memref<32x256x256xf32, #tpu.memory_space<hbm>> -> memref<1x32x256xf32, #tpu.memory_space<hbm>>
      %dma_start3A_347 = tpu.memref_squeeze %dma_start3A_346 : memref<1x32x256xf32, #tpu.memory_space<hbm>> -> memref<32x256xf32, #tpu.memory_space<hbm>>
      %dma_start3A_348 = arith.constant 0 : i32
      %dma_start3A_349 = tpu.memref_slice %arg5[%shift_right_logical3A_1, %add3A_344, %dma_start3A_348] : memref<32x256x256xf32, #tpu.memory_space<hbm>> -> memref<1x32x256xf32, #tpu.memory_space<hbm>>
      %dma_start3A_350 = tpu.memref_squeeze %dma_start3A_349 : memref<1x32x256xf32, #tpu.memory_space<hbm>> -> memref<32x256xf32, #tpu.memory_space<hbm>>
      tpu.enqueue_dma source(%dma_start3A_350 : memref<32x256xf32, #tpu.memory_space<hbm>>) target(%arg19 : memref<32x256xf32, #tpu.memory_space<vmem>>) target_semaphore(%arg26 : memref<!tpu.dma_semaphore, #tpu.memory_space<semaphore_mem>>)
      %add3A_351 = arith.addi %mul3A_4, %add3A_322 : i32
      %dma_start3A_352 = arith.constant 0 : i32
      %dma_start3A_353 = tpu.memref_slice %arg6[%shift_right_logical3A_1, %add3A_351, %dma_start3A_352] : memref<32x256x256xf32, #tpu.memory_space<hbm>> -> memref<1x32x256xf32, #tpu.memory_space<hbm>>
      %dma_start3A_354 = tpu.memref_squeeze %dma_start3A_353 : memref<1x32x256xf32, #tpu.memory_space<hbm>> -> memref<32x256xf32, #tpu.memory_space<hbm>>
      %dma_start3A_355 = arith.constant 0 : i32
      %dma_start3A_356 = tpu.memref_slice %arg6[%shift_right_logical3A_1, %add3A_351, %dma_start3A_355] : memref<32x256x256xf32, #tpu.memory_space<hbm>> -> memref<1x32x256xf32, #tpu.memory_space<hbm>>
      %dma_start3A_357 = tpu.memref_squeeze %dma_start3A_356 : memref<1x32x256xf32, #tpu.memory_space<hbm>> -> memref<32x256xf32, #tpu.memory_space<hbm>>
      tpu.enqueue_dma source(%dma_start3A_357 : memref<32x256xf32, #tpu.memory_space<hbm>>) target(%arg20 : memref<32x256xf32, #tpu.memory_space<vmem>>) target_semaphore(%arg26 : memref<!tpu.dma_semaphore, #tpu.memory_space<semaphore_mem>>)
      %add3A_358 = arith.addi %mul3A_4, %add3A_322 : i32
      %dma_start3A_359 = arith.constant 0 : i32
      %dma_start3A_360 = tpu.memref_slice %arg7[%shift_right_logical3A_1, %add3A_358, %dma_start3A_359] : memref<32x256x256xi32, #tpu.memory_space<hbm>> -> memref<1x32x256xi32, #tpu.memory_space<hbm>>
      %dma_start3A_361 = tpu.memref_squeeze %dma_start3A_360 : memref<1x32x256xi32, #tpu.memory_space<hbm>> -> memref<32x256xi32, #tpu.memory_space<hbm>>
      %dma_start3A_362 = arith.constant 0 : i32
      %dma_start3A_363 = tpu.memref_slice %arg7[%shift_right_logical3A_1, %add3A_358, %dma_start3A_362] : memref<32x256x256xi32, #tpu.memory_space<hbm>> -> memref<1x32x256xi32, #tpu.memory_space<hbm>>
      %dma_start3A_364 = tpu.memref_squeeze %dma_start3A_363 : memref<1x32x256xi32, #tpu.memory_space<hbm>> -> memref<32x256xi32, #tpu.memory_space<hbm>>
      tpu.enqueue_dma source(%dma_start3A_364 : memref<32x256xi32, #tpu.memory_space<hbm>>) target(%arg21 : memref<32x256xi32, #tpu.memory_space<vmem>>) target_semaphore(%arg26 : memref<!tpu.dma_semaphore, #tpu.memory_space<semaphore_mem>>)
    } else {
    }
    %scan3A_301 = arith.constant 0 : i32
    %scan3A_302 = arith.constant 1 : i32
    %dma_wait3A_303 = arith.constant 0 : i32
    %dma_wait3A_304 = arith.constant 0 : i32
    %dma_wait3A_305 = arith.constant 0 : i32
    %dma_wait3A_306 = tpu.memref_slice %arg9[%dma_wait3A_303, %dma_wait3A_304, %dma_wait3A_305] : memref<8x256x256xf32, #tpu.memory_space<hbm>> -> memref<1x32x256xf32, #tpu.memory_space<hbm>>
    %dma_wait3A_307 = tpu.memref_squeeze %dma_wait3A_306 : memref<1x32x256xf32, #tpu.memory_space<hbm>> -> memref<32x256xf32, #tpu.memory_space<hbm>>
    %dma_wait3A_308 = arith.constant 0 : i32
    %dma_wait3A_309 = arith.constant 0 : i32
    %dma_wait3A_310 = tpu.memref_slice %arg9[%dma_wait3A_303, %dma_wait3A_308, %dma_wait3A_309] : memref<8x256x256xf32, #tpu.memory_space<hbm>> -> memref<1x32x256xf32, #tpu.memory_space<hbm>>
    %dma_wait3A_311 = tpu.memref_squeeze %dma_wait3A_310 : memref<1x32x256xf32, #tpu.memory_space<hbm>> -> memref<32x256xf32, #tpu.memory_space<hbm>>
    tpu.wait_dma2 semaphore(%arg27 : memref<!tpu.dma_semaphore, #tpu.memory_space<semaphore_mem>>) src(%dma_wait3A_311 : memref<32x256xf32, #tpu.memory_space<hbm>>) dst(%arg22 : memref<32x256xf32, #tpu.memory_space<vmem>>)
    %dma_wait3A_312 = arith.constant 0 : i32
    %dma_wait3A_313 = arith.constant 0 : i32
    %dma_wait3A_314 = arith.constant 0 : i32
    %dma_wait3A_315 = tpu.memref_slice %arg9[%dma_wait3A_312, %dma_wait3A_313, %dma_wait3A_314] : memref<8x256x256xf32, #tpu.memory_space<hbm>> -> memref<1x32x256xf32, #tpu.memory_space<hbm>>
    %dma_wait3A_316 = tpu.memref_squeeze %dma_wait3A_315 : memref<1x32x256xf32, #tpu.memory_space<hbm>> -> memref<32x256xf32, #tpu.memory_space<hbm>>
    %dma_wait3A_317 = arith.constant 0 : i32
    %dma_wait3A_318 = arith.constant 0 : i32
    %dma_wait3A_319 = tpu.memref_slice %arg9[%dma_wait3A_312, %dma_wait3A_317, %dma_wait3A_318] : memref<8x256x256xf32, #tpu.memory_space<hbm>> -> memref<1x32x256xf32, #tpu.memory_space<hbm>>
    %dma_wait3A_320 = tpu.memref_squeeze %dma_wait3A_319 : memref<1x32x256xf32, #tpu.memory_space<hbm>> -> memref<32x256xf32, #tpu.memory_space<hbm>>
    tpu.wait_dma2 semaphore(%arg28 : memref<!tpu.dma_semaphore, #tpu.memory_space<semaphore_mem>>) src(%dma_wait3A_320 : memref<32x256xf32, #tpu.memory_space<hbm>>) dst(%arg23 : memref<32x256xf32, #tpu.memory_space<vmem>>)
    return
  }
}

module attributes {stable_mosaic.version = 14 : i64} {
  func.func @_tc_body(%arg0: i32, %arg1: memref<10xf32, #tpu.memory_space<smem>>, %arg2: memref<4x256x256xf32, #tpu.memory_space<vmem>>, %arg3: memref<4x256x256xi32, #tpu.memory_space<vmem>>, %arg4: memref<4x256x256xf32, #tpu.memory_space<vmem>>, %arg5: memref<4x256x256xf32, #tpu.memory_space<vmem>>, %arg6: memref<4x256x256xf32, #tpu.memory_space<vmem>>, %arg7: memref<4x256x256xi32, #tpu.memory_space<vmem>>, %arg8: memref<4x256x256xf32, #tpu.memory_space<vmem>>) attributes {dimension_semantics = [#tpu.dimension_semantics<arbitrary>], iteration_bounds = array<i64: 6>, scalar_prefetch = 0 : i64, scratch_operands = 0 : i64, tpu.core_type = #tpu.core_type<tc>, window_params = [{transform_indices = @transform_0, window_bounds = array<i64: 10>}, {transform_indices = @transform_1, window_bounds = array<i64: 4, 256, 256>}, {transform_indices = @transform_2, window_bounds = array<i64: 4, 256, 256>}, {transform_indices = @transform_3, window_bounds = array<i64: 4, 256, 256>}, {transform_indices = @transform_4, window_bounds = array<i64: 4, 256, 256>}, {transform_indices = @transform_5, window_bounds = array<i64: 4, 256, 256>}, {transform_indices = @transform_6, window_bounds = array<i64: 4, 256, 256>}, {transform_indices = @transform_7, window_bounds = array<i64: 4, 256, 256>}]} {
    %get3A = arith.constant 1 : index
    %get3A_0 = memref.load %arg1[%get3A] : memref<10xf32, #tpu.memory_space<smem>>
    %get3A_1 = arith.constant 0 : index
    %get3A_2 = memref.load %arg1[%get3A_1] : memref<10xf32, #tpu.memory_space<smem>>
    %sub3A = arith.subf %get3A_0, %get3A_2 : f32
    %get3A_3 = arith.constant 3 : index
    %get3A_4 = memref.load %arg1[%get3A_3] : memref<10xf32, #tpu.memory_space<smem>>
    %get3A_5 = arith.constant 2 : index
    %get3A_6 = memref.load %arg1[%get3A_5] : memref<10xf32, #tpu.memory_space<smem>>
    %sub3A_7 = arith.subf %get3A_4, %get3A_6 : f32
    %get3A_8 = arith.constant 5 : index
    %get3A_9 = memref.load %arg1[%get3A_8] : memref<10xf32, #tpu.memory_space<smem>>
    %get3A_10 = arith.constant 4 : index
    %get3A_11 = memref.load %arg1[%get3A_10] : memref<10xf32, #tpu.memory_space<smem>>
    %sub3A_12 = arith.subf %get3A_9, %get3A_11 : f32
    %get3A_13 = arith.constant 7 : index
    %get3A_14 = memref.load %arg1[%get3A_13] : memref<10xf32, #tpu.memory_space<smem>>
    %get3A_15 = arith.constant 6 : index
    %get3A_16 = memref.load %arg1[%get3A_15] : memref<10xf32, #tpu.memory_space<smem>>
    %sub3A_17 = arith.subf %get3A_14, %get3A_16 : f32
    %get3A_18 = arith.constant 9 : index
    %get3A_19 = memref.load %arg1[%get3A_18] : memref<10xf32, #tpu.memory_space<smem>>
    %get3A_20 = arith.constant 8 : index
    %get3A_21 = memref.load %arg1[%get3A_20] : memref<10xf32, #tpu.memory_space<smem>>
    %sub3A_22 = arith.subf %get3A_19, %get3A_21 : f32
    %get3A_23 = arith.constant 0 : index
    %get3A_24 = arith.constant 0 : index
    %get3A_25 = arith.constant 0 : index
    %get3A_26 = vector.load %arg2[%get3A_23, %get3A_24, %get3A_25] : memref<4x256x256xf32, #tpu.memory_space<vmem>>, vector<4x256x256xf32>
    %mul3A = vector.broadcast %sub3A_12 : f32 to vector<4x256x256xf32>
    %mul3A_27 = arith.mulf %mul3A, %get3A_26 : vector<4x256x256xf32>
    %get3A_28 = arith.constant 0 : index
    %get3A_29 = arith.constant 0 : index
    %get3A_30 = arith.constant 0 : index
    %get3A_31 = vector.load %arg3[%get3A_28, %get3A_29, %get3A_30] : memref<4x256x256xi32, #tpu.memory_space<vmem>>, vector<4x256x256xi32>
    %get3A_32 = arith.constant 0 : index
    %get3A_33 = arith.constant 0 : index
    %get3A_34 = arith.constant 0 : index
    %get3A_35 = vector.load %arg7[%get3A_32, %get3A_33, %get3A_34] : memref<4x256x256xi32, #tpu.memory_space<vmem>>, vector<4x256x256xi32>
    %eq3A = arith.constant 1 : i32
    %eq3A_36 = vector.broadcast %eq3A : i32 to vector<4x256x256xi32>
    %eq3A_37 = arith.cmpi eq, %get3A_31, %eq3A_36 : vector<4x256x256xi32>
    %broadcast_in_dim3A = vector.broadcast %sub3A_7 : f32 to vector<4x256x256xf32>
    %broadcast_in_dim3A_38 = vector.broadcast %sub3A : f32 to vector<4x256x256xf32>
    %select_n3A = arith.select %eq3A_37, %broadcast_in_dim3A, %broadcast_in_dim3A_38 : vector<4x256x256xi1>, vector<4x256x256xf32>
    %add3A = arith.addf %mul3A_27, %select_n3A : vector<4x256x256xf32>
    %get3A_39 = arith.constant 0 : index
    %get3A_40 = arith.constant 0 : index
    %get3A_41 = arith.constant 0 : index
    %get3A_42 = vector.load %arg4[%get3A_39, %get3A_40, %get3A_41] : memref<4x256x256xf32, #tpu.memory_space<vmem>>, vector<4x256x256xf32>
    %mul3A_43 = arith.constant 0.000000e+00 : f32
    %mul3A_44 = arith.mulf %sub3A_17, %mul3A_43 : f32
    %add3A_45 = arith.addf %sub3A_22, %mul3A_44 : f32
    %add3A_46 = vector.broadcast %add3A_45 : f32 to vector<4x256x256xf32>
    %add3A_47 = arith.addf %get3A_42, %add3A_46 : vector<4x256x256xf32>
    %add3A_48 = arith.addf %add3A, %add3A_47 : vector<4x256x256xf32>
    %gt3A = arith.constant 0.000000e+00 : f32
    %gt3A_49 = vector.broadcast %gt3A : f32 to vector<4x256x256xf32>
    %gt3A_50 = arith.cmpf ogt, %add3A_48, %gt3A_49 : vector<4x256x256xf32>
    %jit3A = arith.constant 1 : i32
    %jit3A_51 = arith.constant 0 : i32
    %broadcast_in_dim3A_52 = vector.broadcast %jit3A : i32 to vector<4x256x256xi32>
    %broadcast_in_dim3A_53 = vector.broadcast %jit3A_51 : i32 to vector<4x256x256xi32>
    %select_n3A_54 = arith.select %gt3A_50, %broadcast_in_dim3A_52, %broadcast_in_dim3A_53 : vector<4x256x256xi1>, vector<4x256x256xi32>
    %and3A = arith.constant 1 : i32
    %and3A_55 = vector.broadcast %and3A : i32 to vector<4x256x256xi32>
    %and3A_56 = arith.andi %get3A_35, %and3A_55 : vector<4x256x256xi32>
    %ne3A = arith.constant 0 : i32
    %ne3A_57 = vector.broadcast %ne3A : i32 to vector<4x256x256xi32>
    %ne3A_58 = arith.cmpi ne, %and3A_56, %ne3A_57 : vector<4x256x256xi32>
    %select_n3A_59 = arith.select %ne3A_58, %select_n3A_54, %get3A_31 : vector<4x256x256xi1>, vector<4x256x256xi32>
    %eq3A_60 = arith.constant 1 : i32
    %eq3A_61 = vector.broadcast %eq3A_60 : i32 to vector<4x256x256xi32>
    %eq3A_62 = arith.cmpi eq, %select_n3A_59, %eq3A_61 : vector<4x256x256xi32>
    %broadcast_in_dim3A_63 = vector.broadcast %sub3A_7 : f32 to vector<4x256x256xf32>
    %broadcast_in_dim3A_64 = vector.broadcast %sub3A : f32 to vector<4x256x256xf32>
    %select_n3A_65 = arith.select %eq3A_62, %broadcast_in_dim3A_63, %broadcast_in_dim3A_64 : vector<4x256x256xi1>, vector<4x256x256xf32>
    %add3A_66 = arith.addf %mul3A_27, %select_n3A_65 : vector<4x256x256xf32>
    %get3A_67 = arith.constant 0 : index
    %get3A_68 = arith.constant 0 : index
    %get3A_69 = arith.constant 0 : index
    %get3A_70 = vector.load %arg5[%get3A_67, %get3A_68, %get3A_69] : memref<4x256x256xf32, #tpu.memory_space<vmem>>, vector<4x256x256xf32>
    %mul3A_71 = arith.constant 2.500000e-01 : f32
    %mul3A_72 = arith.mulf %sub3A_17, %mul3A_71 : f32
    %add3A_73 = arith.addf %sub3A_22, %mul3A_72 : f32
    %add3A_74 = vector.broadcast %add3A_73 : f32 to vector<4x256x256xf32>
    %add3A_75 = arith.addf %get3A_70, %add3A_74 : vector<4x256x256xf32>
    %add3A_76 = arith.addf %add3A_66, %add3A_75 : vector<4x256x256xf32>
    %gt3A_77 = arith.constant 0.000000e+00 : f32
    %gt3A_78 = vector.broadcast %gt3A_77 : f32 to vector<4x256x256xf32>
    %gt3A_79 = arith.cmpf ogt, %add3A_76, %gt3A_78 : vector<4x256x256xf32>
    %jit3A_80 = arith.constant 1 : i32
    %jit3A_81 = arith.constant 0 : i32
    %broadcast_in_dim3A_82 = vector.broadcast %jit3A_80 : i32 to vector<4x256x256xi32>
    %broadcast_in_dim3A_83 = vector.broadcast %jit3A_81 : i32 to vector<4x256x256xi32>
    %select_n3A_84 = arith.select %gt3A_79, %broadcast_in_dim3A_82, %broadcast_in_dim3A_83 : vector<4x256x256xi1>, vector<4x256x256xi32>
    %and3A_85 = arith.constant 2 : i32
    %and3A_86 = vector.broadcast %and3A_85 : i32 to vector<4x256x256xi32>
    %and3A_87 = arith.andi %get3A_35, %and3A_86 : vector<4x256x256xi32>
    %ne3A_88 = arith.constant 0 : i32
    %ne3A_89 = vector.broadcast %ne3A_88 : i32 to vector<4x256x256xi32>
    %ne3A_90 = arith.cmpi ne, %and3A_87, %ne3A_89 : vector<4x256x256xi32>
    %select_n3A_91 = arith.select %ne3A_90, %select_n3A_84, %select_n3A_59 : vector<4x256x256xi1>, vector<4x256x256xi32>
    %eq3A_92 = arith.constant 1 : i32
    %eq3A_93 = vector.broadcast %eq3A_92 : i32 to vector<4x256x256xi32>
    %eq3A_94 = arith.cmpi eq, %select_n3A_91, %eq3A_93 : vector<4x256x256xi32>
    %broadcast_in_dim3A_95 = vector.broadcast %sub3A_7 : f32 to vector<4x256x256xf32>
    %broadcast_in_dim3A_96 = vector.broadcast %sub3A : f32 to vector<4x256x256xf32>
    %select_n3A_97 = arith.select %eq3A_94, %broadcast_in_dim3A_95, %broadcast_in_dim3A_96 : vector<4x256x256xi1>, vector<4x256x256xf32>
    %add3A_98 = arith.addf %mul3A_27, %select_n3A_97 : vector<4x256x256xf32>
    %get3A_99 = arith.constant 0 : index
    %get3A_100 = arith.constant 0 : index
    %get3A_101 = arith.constant 0 : index
    %get3A_102 = vector.load %arg6[%get3A_99, %get3A_100, %get3A_101] : memref<4x256x256xf32, #tpu.memory_space<vmem>>, vector<4x256x256xf32>
    %mul3A_103 = arith.constant 5.000000e-01 : f32
    %mul3A_104 = arith.mulf %sub3A_17, %mul3A_103 : f32
    %add3A_105 = arith.addf %sub3A_22, %mul3A_104 : f32
    %add3A_106 = vector.broadcast %add3A_105 : f32 to vector<4x256x256xf32>
    %add3A_107 = arith.addf %get3A_102, %add3A_106 : vector<4x256x256xf32>
    %add3A_108 = arith.addf %add3A_98, %add3A_107 : vector<4x256x256xf32>
    %gt3A_109 = arith.constant 0.000000e+00 : f32
    %gt3A_110 = vector.broadcast %gt3A_109 : f32 to vector<4x256x256xf32>
    %gt3A_111 = arith.cmpf ogt, %add3A_108, %gt3A_110 : vector<4x256x256xf32>
    %jit3A_112 = arith.constant 1 : i32
    %jit3A_113 = arith.constant 0 : i32
    %broadcast_in_dim3A_114 = vector.broadcast %jit3A_112 : i32 to vector<4x256x256xi32>
    %broadcast_in_dim3A_115 = vector.broadcast %jit3A_113 : i32 to vector<4x256x256xi32>
    %select_n3A_116 = arith.select %gt3A_111, %broadcast_in_dim3A_114, %broadcast_in_dim3A_115 : vector<4x256x256xi1>, vector<4x256x256xi32>
    %and3A_117 = arith.constant 4 : i32
    %and3A_118 = vector.broadcast %and3A_117 : i32 to vector<4x256x256xi32>
    %and3A_119 = arith.andi %get3A_35, %and3A_118 : vector<4x256x256xi32>
    %ne3A_120 = arith.constant 0 : i32
    %ne3A_121 = vector.broadcast %ne3A_120 : i32 to vector<4x256x256xi32>
    %ne3A_122 = arith.cmpi ne, %and3A_119, %ne3A_121 : vector<4x256x256xi32>
    %select_n3A_123 = arith.select %ne3A_122, %select_n3A_116, %select_n3A_91 : vector<4x256x256xi1>, vector<4x256x256xi32>
    %eq3A_124 = arith.constant 1 : i32
    %eq3A_125 = vector.broadcast %eq3A_124 : i32 to vector<4x256x256xi32>
    %eq3A_126 = arith.cmpi eq, %select_n3A_123, %eq3A_125 : vector<4x256x256xi32>
    %broadcast_in_dim3A_127 = vector.broadcast %sub3A_7 : f32 to vector<4x256x256xf32>
    %broadcast_in_dim3A_128 = vector.broadcast %sub3A : f32 to vector<4x256x256xf32>
    %select_n3A_129 = arith.select %eq3A_126, %broadcast_in_dim3A_127, %broadcast_in_dim3A_128 : vector<4x256x256xi1>, vector<4x256x256xf32>
    %add3A_130 = arith.addf %mul3A_27, %select_n3A_129 : vector<4x256x256xf32>
    %mul3A_131 = arith.constant 7.500000e-01 : f32
    %mul3A_132 = arith.mulf %sub3A_17, %mul3A_131 : f32
    %add3A_133 = arith.addf %sub3A_22, %mul3A_132 : f32
    %add3A_134 = vector.broadcast %add3A_133 : f32 to vector<4x256x256xf32>
    %add3A_135 = arith.addf %add3A_130, %add3A_134 : vector<4x256x256xf32>
    %neg3A = arith.constant 0.000000e+00 : f32
    %neg3A_136 = vector.broadcast %neg3A : f32 to vector<4x256x256xf32>
    %neg3A_137 = arith.subf %neg3A_136, %add3A_135 : vector<4x256x256xf32>
    %exp3A = math.exp %neg3A_137 : vector<4x256x256xf32>
    %add3A_138 = arith.constant 1.000000e+00 : f32
    %add3A_139 = vector.broadcast %add3A_138 : f32 to vector<4x256x256xf32>
    %add3A_140 = arith.addf %add3A_139, %exp3A : vector<4x256x256xf32>
    %div3A = arith.constant 1.000000e+00 : f32
    %div3A_141 = vector.broadcast %div3A : f32 to vector<4x256x256xf32>
    %div3A_142 = arith.divf %div3A_141, %add3A_140 : vector<4x256x256xf32>
    %swap3A = arith.constant 0 : index
    %swap3A_143 = arith.constant 0 : index
    %swap3A_144 = arith.constant 0 : index
    %swap3A_145 = vector.load %arg8[%swap3A, %swap3A_143, %swap3A_144] : memref<4x256x256xf32, #tpu.memory_space<vmem>>, vector<4x256x256xf32>
    tpu.vector_store %arg8[%swap3A, %swap3A_143, %swap3A_144], %div3A_142 {strides = array<i32>} : memref<4x256x256xf32, #tpu.memory_space<vmem>>, vector<4x256x256xf32>,
    return
  }
  func.func @transform_0(%arg0: i32) -> i32 {
    %c0_i32 = arith.constant 0 : i32
    %c0_i32_0 = arith.constant 0 : i32
    return %c0_i32 : i32
  }
  func.func @transform_1(%arg0: i32) -> (i32, i32, i32) {
    %add3A = arith.constant 2 : i32
    %add3A_0 = arith.addi %arg0, %add3A : i32
    %c0_i32 = arith.constant 0 : i32
    %c0_i32_1 = arith.constant 0 : i32
    %c0_i32_2 = arith.constant 0 : i32
    return %add3A_0, %c0_i32, %c0_i32_1 : i32, i32, i32
  }
  func.func @transform_2(%arg0: i32) -> (i32, i32, i32) {
    %add3A = arith.constant 2 : i32
    %add3A_0 = arith.addi %arg0, %add3A : i32
    %c0_i32 = arith.constant 0 : i32
    %c0_i32_1 = arith.constant 0 : i32
    %c0_i32_2 = arith.constant 0 : i32
    return %add3A_0, %c0_i32, %c0_i32_1 : i32, i32, i32
  }
  func.func @transform_3(%arg0: i32) -> (i32, i32, i32) {
    %add3A = arith.constant 2 : i32
    %add3A_0 = arith.addi %arg0, %add3A : i32
    %c0_i32 = arith.constant 0 : i32
    %c0_i32_1 = arith.constant 0 : i32
    %c0_i32_2 = arith.constant 0 : i32
    return %add3A_0, %c0_i32, %c0_i32_1 : i32, i32, i32
  }
  func.func @transform_4(%arg0: i32) -> (i32, i32, i32) {
    %add3A = arith.constant 2 : i32
    %add3A_0 = arith.addi %arg0, %add3A : i32
    %c0_i32 = arith.constant 0 : i32
    %c0_i32_1 = arith.constant 0 : i32
    %c0_i32_2 = arith.constant 0 : i32
    return %add3A_0, %c0_i32, %c0_i32_1 : i32, i32, i32
  }
  func.func @transform_5(%arg0: i32) -> (i32, i32, i32) {
    %add3A = arith.constant 2 : i32
    %add3A_0 = arith.addi %arg0, %add3A : i32
    %c0_i32 = arith.constant 0 : i32
    %c0_i32_1 = arith.constant 0 : i32
    %c0_i32_2 = arith.constant 0 : i32
    return %add3A_0, %c0_i32, %c0_i32_1 : i32, i32, i32
  }
  func.func @transform_6(%arg0: i32) -> (i32, i32, i32) {
    %add3A = arith.constant 2 : i32
    %add3A_0 = arith.addi %arg0, %add3A : i32
    %c0_i32 = arith.constant 0 : i32
    %c0_i32_1 = arith.constant 0 : i32
    %c0_i32_2 = arith.constant 0 : i32
    return %add3A_0, %c0_i32, %c0_i32_1 : i32, i32, i32
  }
  func.func @transform_7(%arg0: i32) -> (i32, i32, i32) {
    %c0_i32 = arith.constant 0 : i32
    %c0_i32_0 = arith.constant 0 : i32
    %c0_i32_1 = arith.constant 0 : i32
    return %arg0, %c0_i32, %c0_i32_0 : i32, i32, i32
  }
}

</mosaic_0001>

<sc_bundles>
// kernel: kernel.4.cloned.1.call-start
scs
__scs_entry_jumppad:
0x0: {  	(pc) =	sbr.rel $0x88, $3  }
0x1: {  	(tag) =	ssettag $0x0;
	lr =	simm.s32 $0x1  }
0x2: {  	[smem:$0x3F9D] =	sst lr;
	_ =	strace $0xD0000000  }
0x3: {  	_ = 	snop  }
0x4: {  	_ = 	snop  }
0x5: {  	_ = 	snop  }
0x6: {  	_ = 	snop  }
0x7: {  	_ = 	snop  }
__scs_overlays_trampoline_lowered:
0x8: {  	[smem:$0x3FAC] =	sst s0  }
0x9: {  	[smem:$0x3FAD] =	sst s1  }
0xa: {  	[smem:$0x3FAE] =	sst s2  }
0xb: {  	[smem:$0x3FAF] =	sst s3  }
0xc: {  	[smem:$0x3FB0] =	sst s4  }
0xd: {  	[smem:$0x3FB1] =	sst s5  }
0xe: {  	[smem:$0x3FB2] =	sst s6  }
0xf: {  	[smem:$0x3FB3] =	sst s7  }
0x10: {  	[smem:$0x3FB4] =	sst s8  }
0x11: {  	[smem:$0x3FB5] =	sst s9;
	s0 =	simm.s32 @!p0 $0x0  }
0x12: {  	s1 =	sld [smem:$0x3F9B];
	s0 =	simm.s32 @p0 $0x1  }
0x13: {  	[smem:$0x3FB6] =	sst s0;
	s0 =	simm.s32 @!p1 $0x0  }
0x14: {  	s2 =	sld [smem:$0x3F9A];
	s0 =	simm.s32 @p1 $0x1  }
0x15: {  	[smem:$0x3FB7] =	sst s0;
	s0 =	simm.s32 @!p2 $0x0  }
0x16: {  	s3 =	sld [smem:$0x3FDB];
	s0 =	simm.s32 @p2 $0x1  }
0x17: {  	s4 =	simm.s32 $0x1BF5;
	[smem:$0x3FB9] =	sst s0  }
0x18: {  	s0 =	sld [smem:$0x3F9C];
	_ =	swait.ge [sflag:s4], $0x0  }
0x19: {  	s7 =	sld [smem:$0x3F9D]  }
0x1a: {  	s8 =	sadd.s32 $0xFFFFE003, lr  }
0x1b: {  	s9 =	sadd.s32 $0xFFFFFEF7, lr;
	s5 =	simm.s32 $0xFFFFFFFF;
	p2 =	slt.u32 s8, $0xFFFFF086  }
0x1c: {  	p1 =	slt.u32 s9, $0xF7A;
	s5 =	simm.s32 @!p2 $0x0  }
0x1d: {  	s5 =	simm.s32 @p1 $0x1;
	p0 =	seq.s32 s7, s2  }
0x1e: {  	s7 =	smul.u32 @!p0 $0xF7A, s2;
	p2 =	seq.s32 @!p0 s5, $0x0  }
0x1f: {  	s9 =	smul.u32 $0xF7A, s1;
	s8 =	simm.s32 @!p0 $0x1BF5;
	p2 =	por !p2, p0  }
0x20: {  	[sflag:s8] =	ssyncset.s32 @!p0 $0xFFFFF086;
	s6 =	sadd.s32 @!p0 s3, s7;
	s7 =	simm.s32 @!p0 $0x108  }
0x21: {  	s3 =	sadd.s32 s3, s9;
	s6 =	sadd.s32 @!p0 $0x88, s6;
	s7 =	simm.s32 @p2 $0x1082  }
0x22: {  	[simem:s7], [sflag:s8] =	dma.local @!p0 [hbm:s6], $0xF7A  }
0x23: {  	s9 =	sor.u32 $0xD0000000, s2;
	s6 =	simm.s32 $0x108;
	_ =	swait.ge @!p0 [sflag:s8], $0x0  }
0x24: {  	s3 =	sadd.s32 $0x88, s3;
	s6 =	simm.s32 @!p1 $0x1082;
	[sflag:s4] =	ssyncset.s32 $0xFFFFF086  }
0x25: {  	[simem:s6], [sflag:s4] =	dma.local [hbm:s3], $0xF7A  }
0x26: {  	[smem:$0x3F9D] =	sst s1;
	(tag) =	ssettag s2;
	_ =	strace s9  }
0x27: {  	s1 =	sld [smem:$0x3FAD]  }
0x28: {  	s2 =	sld [smem:$0x3FAE]  }
0x29: {  	s4 =	sld [smem:$0x3FB0]  }
0x2a: {  	p0 =	seq.s32 s5, $0x0;
	s5 =	sld [smem:$0x3FB1]  }
0x2b: {  	s6 =	sld [smem:$0x3FB2]  }
0x2c: {  	s7 =	sld [smem:$0x3FB3]  }
0x2d: {  	s3 =	simm.s32 $0x108;
	s8 =	sld [smem:$0x3FB4]  }
0x2e: {  	s3 =	simm.s32 @!p0 $0x1082;
	s9 =	sld [smem:$0x3FB5]  }
0x2f: {  	lr =	sadd.s32 s0, s3;
	s0 =	sld [smem:$0x3FAC]  }
0x30: {  	s3 =	sld [smem:$0x3FAF]  }
0x31: {  	[smem:$0x3FB8] =	sst s10  }
0x32: {  	s10 =	sld [smem:$0x3FB6];
	_ =	sdelay $0x3  }
0x33: {  	p0 =	seq.s32 s10, $0x1;
	s10 =	sld [smem:$0x3FB8];
	_ =	sdelay $0x3  }
0x34: {  	[smem:$0x3FB8] =	sst s10  }
0x35: {  	s10 =	sld [smem:$0x3FB7];
	_ =	sdelay $0x3  }
0x36: {  	p1 =	seq.s32 s10, $0x1;
	s10 =	sld [smem:$0x3FB8];
	_ =	sdelay $0x3  }
0x37: {  	[smem:$0x3FB8] =	sst s10  }
0x38: {  	s10 =	sld [smem:$0x3FB9]  }
0x39: {  	_ = 	snop;
	(pc) =	sbr.ind lr, $3  }
0x3a: {  	_ = 	snop  }
0x3b: {  	_ = 	snop  }
0x3c: {  	p2 =	seq.s32 s10, $0x1;
	s10 =	sld [smem:$0x3FB8]  }
0x3d: {  	_ =	shalt  }
0x3e: {  	_ =	shalt  }
0x3f: {  	_ =	shalt  }
0x40: {  	_ =	shalt  }
0x41: {  	_ =	shalt  }
0x42: {  	_ =	shalt  }
0x43: {  	_ =	shalt  }
0x44: {  	_ =	shalt  }
0x45: {  	_ =	shalt  }
0x46: {  	_ =	shalt  }
0x47: {  	_ =	shalt  }
0x48: {  	_ =	shalt  }
0x49: {  	_ =	shalt  }
0x4a: {  	_ =	shalt  }
0x4b: {  	_ =	shalt  }
0x4c: {  	_ =	shalt  }
0x4d: {  	_ =	shalt  }
0x4e: {  	_ =	shalt  }
0x4f: {  	_ =	shalt  }
0x50: {  	_ =	shalt  }
0x51: {  	_ =	shalt  }
0x52: {  	_ =	shalt  }
0x53: {  	_ =	shalt  }
0x54: {  	_ =	shalt  }
0x55: {  	_ =	shalt  }
0x56: {  	_ =	shalt  }
0x57: {  	_ =	shalt  }
0x58: {  	_ =	shalt  }
0x59: {  	_ =	shalt  }
0x5a: {  	_ =	shalt  }
0x5b: {  	_ =	shalt  }
0x5c: {  	_ =	shalt  }
0x5d: {  	_ =	shalt  }
0x5e: {  	_ =	shalt  }
0x5f: {  	_ =	shalt  }
0x60: {  	_ =	shalt  }
0x61: {  	_ =	shalt  }
0x62: {  	_ =	shalt  }
0x63: {  	_ =	shalt  }
0x64: {  	_ =	shalt  }
0x65: {  	_ =	shalt  }
0x66: {  	_ =	shalt  }
0x67: {  	_ =	shalt  }
0x68: {  	_ =	shalt  }
0x69: {  	_ =	shalt  }
0x6a: {  	_ =	shalt  }
0x6b: {  	_ =	shalt  }
0x6c: {  	_ =	shalt  }
0x6d: {  	_ =	shalt  }
0x6e: {  	_ =	shalt  }
0x6f: {  	_ =	shalt  }
0x70: {  	_ =	shalt  }
0x71: {  	_ =	shalt  }
0x72: {  	_ =	shalt  }
0x73: {  	_ =	shalt  }
0x74: {  	_ =	shalt  }
0x75: {  	_ =	shalt  }
0x76: {  	_ =	shalt  }
0x77: {  	_ =	shalt  }
0x78: {  	_ =	shalt  }
0x79: {  	_ =	shalt  }
0x7a: {  	_ =	shalt  }
0x7b: {  	_ =	shalt  }
0x7c: {  	_ =	shalt  }
0x7d: {  	_ =	shalt  }
0x7e: {  	_ =	shalt  }
0x7f: {  	_ =	shalt  }
0x80: {  	_ =	shalt  }
0x81: {  	_ =	shalt  }
0x82: {  	_ =	shalt  }
0x83: {  	_ =	shalt  }
0x84: {  	_ =	shalt  }
0x85: {  	_ =	shalt  }
0x86: {  	_ =	shalt  }
0x87: {  	_ =	shalt  }
.Lfunc_end0:
.L_simem_size_0:
called_computation_lowered:
.L_overlay_start_0:
0x88: {  	s2 =	sld [smem:$0x3FD9]  }
0x89: {  	s3 =	sld [smem:$0x3FFE];
	_ =	sdelay $0x1  }
0x8a: {  	s1 =	srdreg.scid  }
0x8b: {  	s0 =	sand.u32 $0x1, s1  }
0x8c: {  	s17 =	sshll.u32 s0, $0xA;
	s2 =	sadd.s32 s3, s2  }
0x8d: {  	s2 =	sadd.s32 s2, s17  }
0x8e: {  	[smem:$0x3FC4] =	sst s2  }
0x8f: {  	_ = 	snop  }
0x90: {  	s2 =	sld [smem:$0x3FC9]  }
0x91: {  	s18 =	sld [smem:$0x3FC8]  }
0x92: {  	s4 =	sld [smem:$0x3FD0];
	(tm) =	ssettm $0x1  }
0x93: {  	s5 =	sld [smem:$0x3FFB];
	_ =	sdelay $0x3  }
0x94: {  	_ =	strace s5  }
0x95: {  	s5 =	sld [smem:$0x3FFC];
	_ =	sdelay $0x3  }
0x96: {  	_ =	strace s5  }
0x97: {  	s5 =	sld [smem:$0x3FFD];
	_ =	sdelay $0x3  }
0x98: {  	_ =	strace s5  }
0x99: {  	_ =	strace $0x8FFFFFFF  }
0x9a: {  	s19 =	sld [smem:$0x3FDB];
	_ =	sdelay $0x1  }
0x9b: {  	s6 =	simm.s32 $_scs_section_size  }
0x9c: {  	s7 =	simm.s32 $_size__tile_overlayer_lowered;
	s8 =	simm.s32 $_tile_overlayer_lowered  }
0x9d: {  	s22 =	simm.s32 $0x1BFF;
	s21 =	sshll.u32 s8, $0x1;
	s5 =	sadd.s32 s6, s19  }
0x9e: {  	s9 =	simm.s32 $0x0;
	s20 =	sshll.u32 s7, $0x1;
	s7 =	sadd.s32 s21, s5  }
0x9f: {  	[timem:s9], [sflag:s22] =	dma.local [hbm:s7], s20  }
0xa0: {  	_ =	swait.ge [sflag:s22], s20  }
0xa1: {  	s6 =	ssub.s32 $0x0, s20;
	[sflag:s22] =	ssyncset.done $0x0  }
0xa2: {  	[sflag:s22] =	ssyncadd.s32 s6;
	_ =	sdelay $0x1  }
0xa3: {  	s23 =	simm.s32 $0x1B8B  }
0xa4: {  	_ =	swait.ge [sflag:s23], $0x1  }
0xa5: {  	[sflag:s23] =	ssyncset.done $0x0  }
0xa6: {  	s25 =	simm.s32 $0x1B8E;
	s24 =	sld [smem:$0x3FFE];
	[sflag:s23] =	ssyncadd.s32 $0xFFFFFFFF  }
0xa7: {  	s26 =	simm.s32 $execute0_lowered;
	[smem:$0x3FD2] =	sst s25  }
0xa8: {  	s7 =	sshll.u32 s26, $0x1;
	_ =	strace $0x80000046;
	[dreg:$0x1] =	wrdreg $0xFFFFFFFF  }
0xa9: {  	s28 =	simm.s32 $_size_execute0_lowered;
	s5 =	sadd.s32 s5, s7;
	[dreg:$0x0] =	wrdreg $0x0  }
0xaa: {  	s7 =	sshll.u32 s28, $0x1;
	[dreg:$0x2] =	wrdreg s5  }
0xab: {  	[dreg:$0x3] =	wrdreg s7  }
0xac: {  	[dreg:$0x4] =	wrdreg $0xC0  }
0xad: {  	_ =	task [dreg:s9], $0x5FFFF  }
0xae: {  	[dreg:$0x1] =	wrdreg $0xFFFFFFFF  }
0xaf: {  	[dreg:$0x0] =	wrdreg $0x60  }
0xb0: {  	[dreg:$0x2] =	wrdreg s2  }
0xb1: {  	[dreg:$0x3] =	wrdreg s18  }
0xb2: {  	[dreg:$0x4] =	wrdreg s4  }
0xb3: {  	[dreg:$0x5] =	wrdreg s24  }
0xb4: {  	[dreg:$0x6] =	wrdreg $0x9  }
0xb5: {  	_ =	task.clear_ibuf [dreg:s9], $0x7FFFF;
	_ =	strace $0x90000046  }
0xb6: {  	s29 =	simm.s32 $0x9;
	_ =	strace $0x80000048  }
0xb7: {  	_ =	swait.ge [sflag:s29], $0x1  }
0xb8: {  	[sflag:s29] =	ssyncadd.s32 $0xFFFFFFFF  }
0xb9: {  	_ =	strace $0x90000048  }
0xba: {  	_ =	sfence  }
0xbb: {  	s30 =	sld [smem:$0x0];
	_ =	sdelay $0x2  }
0xbc: {  	s31 =	sshll.u32 s1, $0xD;
	s1 =	sshrl.u32 s1, $0x2  }
0xbd: {  	s3 =	sand.u32 $0x4000, s31;
	s1 =	sadd.s32 s1, s30  }
0xbe: {  	s0 =	sor.u32 s3, s0;
	s1 =	sshll.u32 s1, $0x11  }
0xbf: {  	s0 =	sor.u32 s1, s0  }
0xc0: {  	s0 =	sadd.s32 $0x8F2B, s0  }
0xc1: {  	[sflag:s0] =	ssyncadd.remote.s32 $0x1  }
0xc2: {  	_ =	sfence.sel $0xFFFF  }
0xc3: {  	[dreg:$0x0] =	wrdreg $0xFFFFFFFF;
	(pc) =	sbr.abs _section_cstart, $3  }
0xc4: {  	[dreg:$0x1] =	wrdreg $0xFFFFFFFF  }
0xc5: {  	_ =	task.clear_ibuf [dreg:s9], $0x2FFFF;
	_ =	strace $0x9FFFFFFF  }
0xc6: {  	(tm) =	ssettm $0x7FFFFFFF  }
0xc7: {  	_ =	shalt  }
tec
execute0_lowered:
.L_overlay_start_1:
0x0: {  	(tag) =	ssettag $0x1  }
0x1: {  	s0 =	rddreg [dreg:$0x0]  }
0x2: {  	s2 =	rddreg [dreg:$0x1]  }
0x3: {  	s12 =	rddreg [dreg:$0x2]  }
0x4: {  	s4 =	rddreg [dreg:$0x3];
	s1 =	simm.s32 $0x0;
	s3 =	srdreg.scid  }
0x5: {  	s30 =	stileid.u32;
	s20 =	simm.s32 $0x5;
	s21 =	simm.s32 $0x2  }
0x6: {  	s23 =	simm.s32 $0x3;
	s24 =	simm.s32 $0x4;
	s25 =	simm.s32 $0x0  }
0x7: {  	[smem:$0x7FF] =	sst s1;
	s13 =	sadd.s32 $0x82000, s4;
	s14 =	sadd.s32 $0x42000, s4  }
0x8: {  	s15 =	sadd.s32 $0x2000, s4;
	s5 =	sand.u32 $0x1, s3;
	s29 =	sadd.s32 $0x1E00, s4  }
0x9: {  	s8 =	sshll.u32 s30, $0xC;
	s17 =	sadd.s32 $0xC2000, s4;
	s6 =	ssub.s32 $0x2, s5  }
0xa: {  	_ =	strace $0x80000047;
	s5 =	sshll.u32 s5, $0xB;
	s7 =	sshrl.u32 s6, $0x1  }
0xb: {  	[dreg:$0x5] =	wrdreg s29;
	s16 =	sor.u32 s5, s8;
	s18 =	ssub.s32 s6, s7  }
0xc: {  	s31 =	sadd.s32 s0, s16;
	s5 =	sadd.s32 s2, s16;
	s6 =	sadd.s32 s12, s16  }
0xd: {  	s7 =	sadd.s32 s13, s16;
	s8 =	sadd.s32 s14, s16;
	s19 =	sor.u32 $0x400, s16  }
0xe: {  	s9 =	sadd.s32 s15, s16;
	s16 =	sadd.s32 s17, s16;
	[dreg:$0x6] =	wrdreg s31  }
0xf: {  	s10 =	sadd.s32 s0, s19;
	s11 =	sadd.s32 s2, s19;
	s12 =	sadd.s32 s12, s19  }
0x10: {  	s13 =	sadd.s32 s13, s19;
	s14 =	sadd.s32 s14, s19;
	s15 =	sadd.s32 s15, s19  }
0x11: {  	s17 =	sadd.s32 s17, s19;
	s18 =	smax.u32 s18, $0x1;
	s2 =	simm.s32 $0x1  }
.LBB2_1:
0x12: {  	s0 =	rddreg [dreg:$0x5];
	s3 =	simm.s32 $0x1C000  }
0x13: {  	[tilespmem:s3], [sflag:$0x5] =	stream.linear.gather [hbm4b:s0+s1], $0x100, $0x38;
	[tilespmem:$0x1C100] =	vst v63  }
0x14: {  	_ =	swait.ge [sflag:s20], $0x100  }
0x15: {  	[sflag:s20] =	ssyncset.done $0x0  }
0x16: {  	[sflag:s20] =	ssyncadd.s32 $0xFFFFFF00  }
0x17: {  	v0 =	vld [tilespmem:$0x1C010]  }
0x18: {  	v1 =	vld [tilespmem:$0x1C000]  }
0x19: {  	v3 =	vld [tilespmem:$0x1C030]  }
0x1a: {  	v4 =	vld [tilespmem:$0x1C020]  }
0x1b: {  	v2 =	vld [tilespmem:$0x1C050]  }
0x1c: {  	v5 =	vld [tilespmem:$0x1C040]  }
0x1d: {  	v6 =	vld [tilespmem:$0x1C070]  }
0x1e: {  	v7 =	vld [tilespmem:$0x1C060]  }
0x1f: {  	s22 =	rddreg [dreg:$0x6];
	v8 =	vld [tilespmem:$0x1C090]  }
0x20: {  	v9 =	vld [tilespmem:$0x1C080];
	[tilespmem:s1], [sflag:$0x1] =	stream.linear.gather [hbm4b:s22+s1], $0x2000, $0x38  }
0x21: {  	s26 =	simm.s32 $0x2000  }
0x22: {  	[tilespmem:s26], [sflag:$0x1] =	stream.linear.gather [hbm4b:s5+s1], $0x2000, $0x38;
	[tilespmem:$0x1C100] =	vst v63  }
0x23: {  	s3 =	simm.s32 $0x4000  }
0x24: {  	[tilespmem:s3], [sflag:$0x1] =	stream.linear.gather [hbm4b:s6+s1], $0x2000, $0x38;
	[tilespmem:$0x1C100] =	vst v63  }
0x25: {  	s4 =	simm.s32 $0x6000  }
0x26: {  	[tilespmem:s4], [sflag:$0x1] =	stream.linear.gather [hbm4b:s7+s1], $0x2000, $0x38;
	[tilespmem:$0x1C100] =	vst v63  }
0x27: {  	s19 =	simm.s32 $0x8000  }
0x28: {  	[tilespmem:s19], [sflag:$0x1] =	stream.linear.gather [hbm4b:s8+s1], $0x2000, $0x38;
	[tilespmem:$0x1C100] =	vst v63  }
0x29: {  	s22 =	simm.s32 $0xA000  }
0x2a: {  	[tilespmem:s22], [sflag:$0x1] =	stream.linear.gather [hbm4b:s9+s1], $0x2000, $0x38;
	[tilespmem:$0x1C100] =	vst v63  }
0x2b: {  	s26 =	simm.s32 $0xC000  }
0x2c: {  	[tilespmem:s26], [sflag:$0x2] =	stream.linear.gather [hbm4b:s10+s1], $0x2000, $0x38;
	[tilespmem:$0x1C100] =	vst v63  }
0x2d: {  	s3 =	simm.s32 $0xE000  }
0x2e: {  	[tilespmem:s3], [sflag:$0x2] =	stream.linear.gather [hbm4b:s11+s1], $0x2000, $0x38;
	[tilespmem:$0x1C100] =	vst v63  }
0x2f: {  	s4 =	simm.s32 $0x10000  }
0x30: {  	[tilespmem:s4], [sflag:$0x2] =	stream.linear.gather [hbm4b:s12+s1], $0x2000, $0x38;
	[tilespmem:$0x1C100] =	vst v63  }
0x31: {  	s19 =	simm.s32 $0x12000  }
0x32: {  	[tilespmem:s19], [sflag:$0x2] =	stream.linear.gather [hbm4b:s13+s1], $0x2000, $0x38;
	[tilespmem:$0x1C100] =	vst v63  }
0x33: {  	s22 =	simm.s32 $0x14000  }
0x34: {  	[tilespmem:s22], [sflag:$0x2] =	stream.linear.gather [hbm4b:s14+s1], $0x2000, $0x38;
	[tilespmem:$0x1C100] =	vst v63  }
0x35: {  	s26 =	simm.s32 $0x16000  }
0x36: {  	[tilespmem:s26], [sflag:$0x2] =	stream.linear.gather [hbm4b:s15+s1], $0x2000, $0x38;
	[tilespmem:$0x1C100] =	vst v63  }
0x37: {  	_ =	swait.ge [sflag:s2], $0x2000  }
0x38: {  	[sflag:s2] =	ssyncset.done $0x0  }
0x39: {  	[sflag:s2] =	ssyncadd.s32 $0xFFFFE000  }
0x3a: {  	_ =	swait.ge [sflag:s2], $0x2000  }
0x3b: {  	[sflag:s2] =	ssyncset.done $0x0  }
0x3c: {  	[sflag:s2] =	ssyncadd.s32 $0xFFFFE000  }
0x3d: {  	_ =	swait.ge [sflag:s2], $0x2000  }
0x3e: {  	[sflag:s2] =	ssyncset.done $0x0  }
0x3f: {  	[sflag:s2] =	ssyncadd.s32 $0xFFFFE000  }
0x40: {  	_ =	swait.ge [sflag:s2], $0x2000  }
0x41: {  	[sflag:s2] =	ssyncset.done $0x0  }
0x42: {  	[sflag:s2] =	ssyncadd.s32 $0xFFFFE000  }
0x43: {  	_ =	swait.ge [sflag:s2], $0x2000  }
0x44: {  	[sflag:s2] =	ssyncset.done $0x0  }
0x45: {  	s3 =	sand.u32 $0x1800, s1;
	s19 =	sand.u32 $0x400, s1;
	[sflag:s2] =	ssyncadd.s32 $0xFFFFE000  }
0x46: {  	s4 =	sand.u32 $0x380, s1;
	s0 =	sor.u32 s19, s3;
	_ =	swait.ge [sflag:s2], $0x2000  }
0x47: {  	s22 =	sand.u32 $0x40, s1;
	s0 =	sor.u32 s4, s0;
	[sflag:s2] =	ssyncset.done $0x0  }
0x48: {  	s26 =	sor.u32 s22, s0;
	[sflag:s2] =	ssyncadd.s32 $0xFFFFE000  }
0x49: {  	v10 =	vld [tilespmem:s26+$0x30]  }
0x4a: {  	v11 =	vld [tilespmem:s26+$0x2030]  }
0x4b: {  	v12 =	vld [tilespmem:s26+$0x0]  }
0x4c: {  	v13 =	vld [tilespmem:s26+$0x4030]  }
0x4d: {  	v8 =	vsub.f32 v8, v9;
	v9 =	vld [tilespmem:s26+$0x2000]  }
0x4e: {  	v14 =	vld [tilespmem:s26+$0xA030]  }
0x4f: {  	s19 =	simm.s32 $0x40;
	s22 =	simm.s32 $0x200;
	v15 =	vld [tilespmem:s26+$0x2010]  }
0x50: {  	s28 =	simm.s32 $0x20;
	v7 =	vsub.f32 v6, v7;
	s3 =	sand.u32 $0x1800, s19;
	s0 =	sand.u32 $0x400, s22;
	v19 =	vld [tilespmem:s26+$0x4000]  }
0x51: {  	s4 =	sand.u32 $0x380, s28;
	s0 =	sor.u32 s0, s3;
	v63 =	vld [tilespmem:s26+$0xA000]  }
0x52: {  	v0 =	vsub.f32 v0, v1;
	v2 =	vsub.f32 v2, v5;
	v5 =	vmul.f32 $0.0e+00, v7;
	s19 =	sand.u32 $0x40, s19;
	s0 =	sor.u32 s4, s0;
	v21 =	vld [tilespmem:s26+$0xA010]  }
0x53: {  	v1 =	vsub.f32 v3, v4;
	v3 =	vmul.f32 $2.500000000e-01, v7;
	v6 =	vmul.f32 $5.000000000e-01, v7;
	s28 =	sor.u32 s19, s0;
	v22 =	vld [tilespmem:s26+$0xA020]  }
0x54: {  	v4 =	vadd.f32 v8, v5;
	v40 =	vld [tilespmem:s28+$0x4020]  }
0x55: {  	v16 =	vmul.f32 $7.500000000e-01, v7;
	v5 =	vadd.f32 v8, v3;
	v6 =	vadd.f32 v8, v6;
	v23 =	vld [tilespmem:s28+$0xA010]  }
0x56: {  	v44 =	vld [tilespmem:s28+$0xA020];
	v10 =	vmul.f32 v10, v2;
	vm2 =	veq.s32 v11, $0x1;
	v13 =	vadd.f32 v13, v4  }
0x57: {  	v41 =	vld [tilespmem:s28+$0xA000];
	v7 =	vmul.f32 v12, v2;
	vm0 =	veq.s32 v9, $0x1;
	v18 =	vand.u32 $0x1, v14  }
0x58: {  	vm1 =	veq.s32 v15, $0x1;
	v19 =	vadd.f32 v19, v4;
	v24 =	vand.u32 $0x2, v14  }
0x59: {  	v62 =	vld [tilespmem:s26+$0x6030];
	v28 =	vand.u32 $0x2, v63;
	v29 =	vand.u32 $0x2, v21;
	v30 =	vand.u32 $0x2, v22  }
0x5a: {  	v11 =	vld [tilespmem:s26+$0x10];
	v31 =	vand.u32 $0x4, v63;
	v32 =	vand.u32 $0x4, v21;
	v45 =	vadd.f32 v40, v4  }
0x5b: {  	v12 =	vld [tilespmem:s26+$0x20];
	v46 =	vand.u32 $0x1, v23;
	v47 =	vand.u32 $0x1, v44;
	v3 =	vsel vm2, v1, v0  }
0x5c: {  	v49 =	vand.u32 $0x2, v41;
	v50 =	vand.u32 $0x2, v23;
	v3 =	vadd.f32 v3, v10  }
0x5d: {  	v51 =	vand.u32 $0x2, v44;
	v56 =	vand.u32 $0x4, v41;
	v9 =	vsel vm0, v1, v0  }
0x5e: {  	v17 =	vld [tilespmem:s26+$0x2020];
	vm3 =	veq.s32 v18, $0x0;
	v18 =	vadd.f32 v62, v5;
	v13 =	vadd.f32 v13, v3  }
0x5f: {  	v61 =	vadd.f32 v9, v7;
	v3 =	vadd.f32 v8, v16;
	v8 =	vmul.f32 v11, v2;
	v11 =	vld [tilespmem:s26+$0x4010]  }
0x60: {  	vm5 =	vmneg vm3;
	v9 =	vmul.f32 v12, v2;
	v12 =	vld [tilespmem:s26+$0x4020];
	vm4 =	vgt.f32 v13, $0.0e+00  }
0x61: {  	vm2 =	vmand vm3, vm2;
	v13 =	vsel vm1, v1, v0;
	vm3 =	vmand vm5, vm4  }
0x62: {  	v25 =	vld [tilespmem:s26+$0x8030];
	v16 =	vadd.f32 v19, v61;
	v13 =	vadd.f32 v13, v8;
	vm3 =	vmor vm2, vm3  }
0x63: {  	vm4 =	veq.s32 v24, $0x0;
	vm2 =	veq.s32 v17, $0x1;
	v15 =	vsel vm3, v1, v0  }
0x64: {  	v20 =	vsel vm2, v1, v0;
	v15 =	vadd.f32 v15, v10;
	v11 =	vadd.f32 v11, v4  }
0x65: {  	vm6 =	vmneg vm4;
	v20 =	vadd.f32 v20, v9;
	v12 =	vadd.f32 v12, v4  }
0x66: {  	vm3 =	vmand vm4, vm3;
	v15 =	vadd.f32 v15, v18;
	v11 =	vadd.f32 v11, v13  }
0x67: {  	v12 =	vadd.f32 v12, v20;
	v13 =	vand.u32 $0x1, v63;
	v18 =	vadd.f32 v25, v6  }
0x68: {  	vm5 =	vgt.f32 v15, $0.0e+00;
	v15 =	vand.u32 $0x1, v21;
	vm7 =	vgt.f32 v11, $0.0e+00  }
0x69: {  	vm9 =	vgt.f32 v12, $0.0e+00;
	v12 =	vand.u32 $0x4, v14;
	vm4 =	vmand vm6, vm5  }
0x6a: {  	vm5 =	veq.s32 v15, $0x0;
	vm6 =	vgt.f32 v16, $0.0e+00;
	vm3 =	vmor vm3, vm4  }
0x6b: {  	vm12 =	veq.s32 v12, $0x0;
	vm4 =	veq.s32 v13, $0x0;
	v26 =	vsel vm3, v1, v0  }
0x6c: {  	v13 =	vand.u32 $0x1, v22;
	vm11 =	vmneg vm5;
	v15 =	vadd.f32 v26, v10  }
0x6d: {  	vm15 =	vmneg vm12;
	vm1 =	vmand vm5, vm1;
	vm5 =	veq.s32 v30, $0x0  }
0x6e: {  	vm8 =	veq.s32 v13, $0x0;
	vm10 =	vmneg vm4;
	v11 =	vadd.f32 v15, v18  }
0x6f: {  	vm3 =	vmand vm12, vm3;
	vm7 =	vmand vm11, vm7;
	vm0 =	vmand vm4, vm0  }
0x70: {  	v13 =	vld [tilespmem:s26+$0x6010];
	vm4 =	veq.s32 v29, $0x0;
	vm6 =	vmand vm10, vm6;
	vm14 =	vgt.f32 v11, $0.0e+00  }
0x71: {  	vm11 =	vmneg vm5;
	vm0 =	vmor vm0, vm6;
	v11 =	vld [tilespmem:s26+$0x6000];
	vm10 =	vmand vm15, vm14  }
0x72: {  	vm13 =	vmneg vm8;
	v14 =	vsel vm0, v1, v0;
	vm3 =	vmor vm3, vm10  }
0x73: {  	vm9 =	vmand vm13, vm9;
	v14 =	vadd.f32 v14, v7;
	v12 =	vsel vm3, v1, v0  }
0x74: {  	vm3 =	vmand vm8, vm2;
	vm2 =	vmor vm1, vm7;
	v10 =	vadd.f32 v12, v10  }
0x75: {  	v13 =	vadd.f32 v13, v5;
	v12 =	vld [tilespmem:s26+$0x6020];
	vm1 =	vmor vm3, vm9;
	v15 =	vsel vm2, v1, v0  }
0x76: {  	vm3 =	veq.s32 v28, $0x0;
	v11 =	vadd.f32 v11, v5;
	v10 =	vadd.f32 v10, v3  }
0x77: {  	vm9 =	vmneg vm4;
	vm4 =	vmand vm4, vm2;
	v15 =	vadd.f32 v15, v8  }
0x78: {  	v27 =	vsel vm1, v1, v0;
	v11 =	vadd.f32 v14, v11;
	v10 =	vsub.f32 $0.0e+00, v10  }
0x79: {  	vm7 =	vmneg vm3;
	v16 =	vadd.f32 v27, v9;
	v13 =	vadd.f32 v15, v13  }
0x7a: {  	v12 =	vadd.f32 v12, v5;
	vm6 =	vgt.f32 v11, $0.0e+00;
	v11 =	vld [tilespmem:s26+$0x8010];
	v10 =	vmul.f32 $1.442695020e+00, v10  }
0x7b: {  	vm0 =	vmand vm3, vm0;
	vm8 =	vgt.f32 v13, $0.0e+00;
	vm6 =	vmand vm7, vm6  }
0x7c: {  	vm7 =	vmand vm9, vm8;
	v12 =	vadd.f32 v16, v12;
	(erf) = vpow2.f32 v10;
	v10 =	vld [tilespmem:s26+$0x8000]  }
0x7d: {  	vm1 =	vmand vm5, vm1;
	vm2 =	vmor vm0, vm6;
	vm0 =	vmor vm4, vm7  }
0x7e: {  	v13 =	vsel vm2, v1, v0;
	v14 =	vsel vm0, v1, v0;
	vm10 =	vgt.f32 v12, $0.0e+00;
	v12 =	vld [tilespmem:s26+$0x8020]  }
0x7f: {  	v14 =	vadd.f32 v14, v8;
	vm3 =	vmand vm11, vm10;
	v11 =	vadd.f32 v11, v6  }
0x80: {  	vm4 =	veq.s32 v32, $0x0;
	v13 =	vadd.f32 v13, v7;
	vm1 =	vmor vm1, vm3  }
0x81: {  	v15 =	vsel vm1, v1, v0;
	v11 =	vadd.f32 v14, v11;
	v10 =	vadd.f32 v10, v6  }
0x82: {  	vm0 =	vmand vm4, vm0;
	vm3 =	veq.s32 v31, $0x0;
	v15 =	vadd.f32 v15, v9  }
0x83: {  	v12 =	vadd.f32 v12, v6;
	vm8 =	vgt.f32 v11, $0.0e+00;
	v11 =	vld [tilespmem:s28+$0x30];
	v10 =	vadd.f32 v13, v10  }
0x84: {  	vm7 =	vmneg vm3;
	vm2 =	vmand vm3, vm2;
	v13 =	vand.u32 $0x4, v22  }
0x85: {  	v12 =	vadd.f32 v15, v12;
	vm6 =	veq.s32 v13, $0x0;
	vm5 =	vgt.f32 v10, $0.0e+00  }
0x86: {  	v13 =	vld [tilespmem:s28+$0x2030];
	vm10 =	vmneg vm6;
	vm5 =	vmand vm7, vm5;
	vm7 =	vmneg vm4  }
0x87: {  	vm1 =	vmand vm6, vm1;
	vm9 =	vgt.f32 v12, $0.0e+00;
	vm3 =	vmand vm7, vm8  }
0x88: {  	vm7 =	vmand vm10, vm9;
	vm2 =	vmor vm2, vm5;
	v11 =	vmul.f32 v11, v2  }
0x89: {  	s22 =	simm.s32 $0x400;
	s19 =	simm.s32 $0x80;
	v10 =	vsel vm2, v1, v0;
	vm0 =	vmor vm0, vm3;
	v12 =	vpop (erf);
	vm1 =	vmor vm1, vm7  }
0x8a: {  	s30 =	simm.s32 $0x40;
	s0 =	sand.u32 $0x400, s22;
	s3 =	sand.u32 $0x1800, s19;
	v15 =	vld [tilespmem:s28+$0x2000];
	v7 =	vadd.f32 v10, v7;
	v10 =	vsel vm0, v1, v0;
	v12 =	vadd.f32 $1.000000000e+00, v12  }
0x8b: {  	s4 =	sand.u32 $0x380, s30;
	s0 =	sor.u32 s0, s3;
	v14 =	vsel vm1, v1, v0;
	vm2 =	veq.s32 v13, $0x1;
	v8 =	vadd.f32 v10, v8;
	v10 =	vld [tilespmem:s28+$0x0]  }
0x8c: {  	s19 =	sand.u32 $0x40, s19;
	s0 =	sor.u32 s4, s0;
	v57 =	vand.u32 $0x4, v23;
	v9 =	vadd.f32 v14, v9;
	v14 =	vld [tilespmem:s28+$0x4030];
	v34 =	vsel vm2, v1, v0  }
0x8d: {  	s29 =	sor.u32 s19, s0;
	v7 =	vadd.f32 v7, v3;
	(erf) = vrcp.f32 v12;
	v12 =	vld [tilespmem:s28+$0xA030];
	v17 =	vadd.f32 v34, v11  }
0x8e: {  	vm8 =	veq.s32 v47, $0x0;
	v34 =	vld [tilespmem:s29+$0x4000];
	v8 =	vadd.f32 v8, v3;
	v9 =	vadd.f32 v9, v3  }
0x8f: {  	v36 =	vld [tilespmem:s28+$0x20];
	v22 =	vand.u32 $0x4, v44;
	vm15 =	vmneg vm8;
	v7 =	vsub.f32 $0.0e+00, v7  }
0x90: {  	v13 =	vld [tilespmem:s28+$0x10];
	vm0 =	veq.s32 v15, $0x1;
	v8 =	vsub.f32 $0.0e+00, v8;
	v9 =	vsub.f32 $0.0e+00, v9  }
0x91: {  	v39 =	vld [tilespmem:s28+$0x4000];
	v33 =	vmul.f32 $1.442695020e+00, v7;
	v7 =	vmul.f32 v10, v2;
	v14 =	vadd.f32 v14, v4  }
0x92: {  	v10 =	vld [tilespmem:s28+$0x2010];
	v35 =	vmul.f32 $1.442695020e+00, v8;
	v37 =	vmul.f32 $1.442695020e+00, v9;
	v8 =	vsel vm0, v1, v0  }
0x93: {  	v15 =	vld [tilespmem:s28+$0x2020];
	v20 =	vadd.f32 v34, v4;
	v9 =	vadd.f32 v14, v17;
	v14 =	vand.u32 $0x1, v12  }
0x94: {  	(erf) = vpow2.f32 v33;
	v38 =	vadd.f32 v8, v7;
	vm3 =	veq.s32 v14, $0x0;
	v14 =	vld [tilespmem:s28+$0x6030]  }
0x95: {  	v8 =	vmul.f32 v13, v2;
	vm4 =	vgt.f32 v9, $0.0e+00;
	vm5 =	vmneg vm3  }
0x96: {  	v17 =	vadd.f32 v39, v4;
	v33 =	vld [tilespmem:s29+$0x6030];
	vm2 =	vmand vm3, vm2;
	vm3 =	vmand vm5, vm4  }
0x97: {  	(erf) = vpow2.f32 v35;
	vm1 =	veq.s32 v10, $0x1;
	v10 =	vld [tilespmem:s28+$0x4010];
	vm3 =	vmor vm2, vm3  }
0x98: {  	v9 =	vmul.f32 v36, v2;
	vm2 =	veq.s32 v15, $0x1;
	v15 =	vsel vm3, v1, v0  }
0x99: {  	v13 =	vsel vm1, v1, v0;
	v15 =	vadd.f32 v15, v11;
	v14 =	vadd.f32 v14, v5  }
0x9a: {  	(erf) = vpow2.f32 v37;
	v16 =	vadd.f32 v17, v38;
	v13 =	vadd.f32 v13, v8  }
0x9b: {  	v42 =	vsel vm2, v1, v0;
	v19 =	vadd.f32 v33, v5;
	v14 =	vadd.f32 v15, v14  }
0x9c: {  	v15 =	vand.u32 $0x2, v12;
	v10 =	vadd.f32 v10, v4;
	v12 =	vand.u32 $0x4, v12  }
0x9d: {  	v43 =	vadd.f32 v42, v9;
	vm4 =	veq.s32 v15, $0x0;
	vm11 =	veq.s32 v12, $0x0  }
0x9e: {  	v15 =	vld [tilespmem:s28+$0x8030];
	vm5 =	vgt.f32 v14, $0.0e+00;
	vm6 =	vmneg vm4;
	v10 =	vadd.f32 v10, v13  }
0x9f: {  	vm3 =	vmand vm4, vm3;
	v13 =	vadd.f32 v45, v43;
	v14 =	vand.u32 $0x1, v41  }
0xa0: {  	vm14 =	vmneg vm11;
	vm4 =	vmand vm6, vm5;
	vm5 =	veq.s32 v46, $0x0  }
0xa1: {  	vm6 =	vgt.f32 v16, $0.0e+00;
	vm3 =	vmor vm3, vm4;
	vm4 =	veq.s32 v14, $0x0  }
0xa2: {  	vm7 =	vgt.f32 v10, $0.0e+00;
	vm9 =	vgt.f32 v13, $0.0e+00;
	v14 =	vsel vm3, v1, v0  }
0xa3: {  	vm12 =	vmneg vm5;
	v14 =	vadd.f32 v14, v11;
	v15 =	vadd.f32 v15, v6  }
0xa4: {  	v13 =	vld [tilespmem:s28+$0x6010];
	vm1 =	vmand vm5, vm1;
	vm5 =	veq.s32 v51, $0x0;
	vm10 =	vmneg vm4  }
0xa5: {  	vm0 =	vmand vm4, vm0;
	vm6 =	vmand vm10, vm6;
	v10 =	vadd.f32 v14, v15  }
0xa6: {  	vm3 =	vmand vm11, vm3;
	vm7 =	vmand vm12, vm7;
	vm0 =	vmor vm0, vm6  }
0xa7: {  	vm9 =	vmand vm15, vm9;
	v14 =	vsel vm0, v1, v0;
	vm13 =	vgt.f32 v10, $0.0e+00  }
0xa8: {  	vm4 =	veq.s32 v50, $0x0;
	v14 =	vadd.f32 v14, v7;
	v10 =	vld [tilespmem:s28+$0x6000];
	vm11 =	vmand vm14, vm13  }
0xa9: {  	v13 =	vadd.f32 v13, v5;
	vm3 =	vmor vm3, vm11;
	vm11 =	vmneg vm5  }
0xaa: {  	v12 =	vsel vm3, v1, v0;
	vm3 =	vmand vm8, vm2;
	vm2 =	vmor vm1, vm7  }
0xab: {  	v11 =	vadd.f32 v12, v11;
	v12 =	vld [tilespmem:s28+$0x6020];
	vm1 =	vmor vm3, vm9;
	v15 =	vsel vm2, v1, v0  }
0xac: {  	vm3 =	veq.s32 v49, $0x0;
	vm9 =	vmneg vm4;
	v15 =	vadd.f32 v15, v8  }
0xad: {  	v48 =	vsel vm1, v1, v0;
	v10 =	vadd.f32 v10, v5;
	v11 =	vadd.f32 v11, v3  }
0xae: {  	vm7 =	vmneg vm3;
	vm0 =	vmand vm3, vm0;
	v16 =	vadd.f32 v48, v9  }
0xaf: {  	vm3 =	vmand vm4, vm2;
	v10 =	vadd.f32 v14, v10;
	v11 =	vsub.f32 $0.0e+00, v11  }
0xb0: {  	vm1 =	vmand vm5, vm1;
	v13 =	vadd.f32 v15, v13;
	v12 =	vadd.f32 v12, v5  }
0xb1: {  	vm4 =	veq.s32 v57, $0x0;
	vm6 =	vgt.f32 v10, $0.0e+00;
	v10 =	vld [tilespmem:s28+$0x8000];
	v11 =	vmul.f32 $1.442695020e+00, v11  }
0xb2: {  	vm8 =	vgt.f32 v13, $0.0e+00;
	vm6 =	vmand vm7, vm6;
	v12 =	vadd.f32 v16, v12  }
0xb3: {  	vm7 =	vmand vm9, vm8;
	vm2 =	vmor vm0, vm6;
	(erf) = vpow2.f32 v11;
	v11 =	vld [tilespmem:s28+$0x8010]  }
0xb4: {  	vm0 =	vmor vm3, vm7;
	vm3 =	veq.s32 v56, $0x0;
	vm10 =	vgt.f32 v12, $0.0e+00;
	v12 =	vld [tilespmem:s28+$0x8020]  }
0xb5: {  	vm6 =	veq.s32 v22, $0x0;
	v14 =	vsel vm2, v1, v0;
	v52 =	vsel vm0, v1, v0  }
0xb6: {  	v14 =	vadd.f32 v14, v7;
	vm8 =	vmand vm11, vm10;
	v10 =	vadd.f32 v10, v6  }
0xb7: {  	vm7 =	vmneg vm3;
	v16 =	vadd.f32 v52, v8;
	vm1 =	vmor vm1, vm8  }
0xb8: {  	v54 =	vsel vm1, v1, v0;
	v10 =	vadd.f32 v14, v10;
	v11 =	vadd.f32 v11, v6  }
0xb9: {  	vm2 =	vmand vm3, vm2;
	v18 =	vadd.f32 v54, v9;
	v12 =	vadd.f32 v12, v6  }
0xba: {  	v59 =	vld [tilespmem:s29+$0x2030];
	vm0 =	vmand vm4, vm0;
	vm10 =	vmneg vm6;
	v11 =	vadd.f32 v16, v11  }
0xbb: {  	v25 =	vld [tilespmem:s29+$0xA000];
	v15 =	vpop (erf);
	vm1 =	vmand vm6, vm1;
	vm5 =	vgt.f32 v10, $0.0e+00;
	v12 =	vadd.f32 v18, v12  }
0xbc: {  	v39 =	vld [tilespmem:s29+$0xA020];
	v13 =	vpop (erf);
	vm5 =	vmand vm7, vm5;
	vm7 =	vmneg vm4;
	vm8 =	vgt.f32 v11, $0.0e+00  }
0xbd: {  	v38 =	vld [tilespmem:s29+$0xA010];
	v53 =	vpop (erf);
	vm2 =	vmor vm2, vm5;
	vm9 =	vgt.f32 v12, $0.0e+00;
	vm3 =	vmand vm7, vm8  }
0xbe: {  	v41 =	vld [tilespmem:s29+$0x8030];
	v55 =	vpop (erf);
	v10 =	vsel vm2, v1, v0;
	vm7 =	vmand vm10, vm9;
	vm0 =	vmor vm0, vm3  }
0xbf: {  	v58 =	vpop (erf);
	v11 =	vld [tilespmem:s29+$0x30];
	v7 =	vadd.f32 v10, v7;
	vm1 =	vmor vm1, vm7;
	v10 =	vsel vm0, v1, v0  }
0xc0: {  	v14 =	vadd.f32 $1.000000000e+00, v58;
	v12 =	vsel vm1, v1, v0;
	v8 =	vadd.f32 v10, v8;
	v10 =	vld [tilespmem:s29+$0x0]  }
0xc1: {  	v44 =	vand.u32 $0x1, v39;
	v9 =	vadd.f32 v12, v9;
	v12 =	vadd.f32 $1.000000000e+00, v13;
	v13 =	vld [tilespmem:s29+$0x4030]  }
0xc2: {  	v35 =	vld [tilespmem:s29+$0x4020];
	v42 =	vand.u32 $0x1, v25;
	v43 =	vand.u32 $0x1, v38;
	(erf) = vrcp.f32 v14  }
0xc3: {  	v47 =	vadd.f32 v41, v6;
	v8 =	vadd.f32 v8, v3;
	(erf) = vrcp.f32 v12;
	v12 =	vld [tilespmem:s29+$0xA030]  }
0xc4: {  	v22 =	vand.u32 $0x4, v39;
	vm2 =	veq.s32 v59, $0x1;
	v63 =	vmul.f32 v11, v2  }
0xc5: {  	v28 =	vld [tilespmem:s29+$0x2010];
	v61 =	vsub.f32 $0.0e+00, v8;
	v8 =	vmul.f32 v10, v2;
	v10 =	vsel vm2, v1, v0  }
0xc6: {  	v52 =	vand.u32 $0x2, v25;
	v10 =	vadd.f32 v10, v63;
	v13 =	vadd.f32 v13, v4  }
0xc7: {  	v25 =	vand.u32 $0x4, v25;
	v54 =	vand.u32 $0x2, v39;
	v16 =	vadd.f32 v35, v4  }
0xc8: {  	vm8 =	veq.s32 v44, $0x0;
	v13 =	vadd.f32 v13, v10;
	v31 =	vand.u32 $0x1, v12  }
0xc9: {  	vm13 =	vmneg vm8;
	v7 =	vadd.f32 v7, v3;
	v14 =	vld [tilespmem:s29+$0x2000];
	vm3 =	veq.s32 v31, $0x0  }
0xca: {  	vm1 =	veq.s32 v28, $0x1;
	vm4 =	vgt.f32 v13, $0.0e+00;
	vm5 =	vmneg vm3  }
0xcb: {  	v60 =	vsub.f32 $0.0e+00, v7;
	vm3 =	vmand vm3, vm2;
	vm4 =	vmand vm5, vm4  }
0xcc: {  	v7 =	vadd.f32 $1.000000000e+00, v53;
	v36 =	vsel vm1, v1, v0;
	vm3 =	vmor vm3, vm4  }
0xcd: {  	v62 =	vld [tilespmem:s29+$0x10];
	v9 =	vadd.f32 v9, v3;
	v11 =	vmul.f32 $1.442695020e+00, v60;
	v24 =	vsel vm3, v1, v0  }
0xce: {  	v53 =	vand.u32 $0x2, v38;
	vm0 =	veq.s32 v14, $0x1;
	v14 =	vld [tilespmem:s29+$0x2020];
	v24 =	vadd.f32 v24, v63  }
0xcf: {  	v9 =	vsub.f32 $0.0e+00, v9;
	(erf) = vpow2.f32 v11;
	v11 =	vsel vm0, v1, v0;
	v13 =	vld [tilespmem:s29+$0x4010]  }
0xd0: {  	v29 =	vld [tilespmem:s29+$0x20];
	v17 =	vmul.f32 $1.442695020e+00, v61;
	v40 =	vand.u32 $0x2, v12;
	v19 =	vadd.f32 v24, v19  }
0xd1: {  	v30 =	vmul.f32 $1.442695020e+00, v9;
	v9 =	vadd.f32 $1.000000000e+00, v55;
	vm4 =	veq.s32 v40, $0x0  }
0xd2: {  	v10 =	vmul.f32 v62, v2;
	vm6 =	vmneg vm4;
	vm5 =	vgt.f32 v19, $0.0e+00  }
0xd3: {  	vm2 =	veq.s32 v14, $0x1;
	vm3 =	vmand vm4, vm3;
	vm4 =	vmand vm6, vm5  }
0xd4: {  	v14 =	vadd.f32 v36, v10;
	v13 =	vadd.f32 v13, v4;
	vm3 =	vmor vm3, vm4  }
0xd5: {  	v32 =	vadd.f32 v11, v8;
	v11 =	vmul.f32 v29, v2;
	v45 =	vsel vm3, v1, v0  }
0xd6: {  	v12 =	vand.u32 $0x4, v12;
	v13 =	vadd.f32 v13, v14;
	v46 =	vadd.f32 v45, v63  }
0xd7: {  	(erf) = vpow2.f32 v17;
	v20 =	vadd.f32 v20, v32;
	vm12 =	veq.s32 v12, $0x0  }
0xd8: {  	v12 =	vld [tilespmem:s29+$0x6000];
	v37 =	vsel vm2, v1, v0;
	vm7 =	vgt.f32 v13, $0.0e+00;
	v13 =	vadd.f32 v46, v47  }
0xd9: {  	vm15 =	vmneg vm12;
	v18 =	vadd.f32 v37, v11;
	vm4 =	veq.s32 v42, $0x0  }
0xda: {  	v48 =	vld [tilespmem:s29+$0x6020];
	vm6 =	vgt.f32 v20, $0.0e+00;
	vm10 =	vmneg vm4;
	vm14 =	vgt.f32 v13, $0.0e+00  }
0xdb: {  	vm3 =	vmand vm12, vm3;
	vm6 =	vmand vm10, vm6;
	vm10 =	vmand vm15, vm14  }
0xdc: {  	(erf) = vpow2.f32 v30;
	v14 =	vadd.f32 v16, v18;
	vm3 =	vmor vm3, vm10  }
0xdd: {  	vm2 =	vmand vm8, vm2;
	v12 =	vadd.f32 v12, v5;
	v13 =	vsel vm3, v1, v0  }
0xde: {  	vm5 =	veq.s32 v43, $0x0;
	vm9 =	vgt.f32 v14, $0.0e+00;
	v13 =	vadd.f32 v13, v63  }
0xdf: {  	v16 =	vadd.f32 v48, v5;
	vm11 =	vmneg vm5;
	vm9 =	vmand vm13, vm9  }
0xe0: {  	vm1 =	vmand vm5, vm1;
	vm5 =	veq.s32 v54, $0x0;
	v13 =	vadd.f32 v13, v3  }
0xe1: {  	vm7 =	vmand vm11, vm7;
	vm0 =	vmand vm4, vm0;
	vm2 =	vmor vm2, vm9  }
0xe2: {  	v14 =	vld [tilespmem:s29+$0x6010];
	vm4 =	veq.s32 v53, $0x0;
	vm0 =	vmor vm0, vm6;
	v13 =	vsub.f32 $0.0e+00, v13  }
0xe3: {  	vm11 =	vmneg vm5;
	vm1 =	vmor vm1, vm7;
	v49 =	vsel vm0, v1, v0  }
0xe4: {  	v51 =	vsel vm2, v1, v0;
	v18 =	vadd.f32 v49, v8;
	v13 =	vmul.f32 $1.442695020e+00, v13  }
0xe5: {  	v58 =	vld [tilespmem:s29+$0x8020];
	vm9 =	vmneg vm4;
	v50 =	vsel vm1, v1, v0;
	v20 =	vadd.f32 v51, v11  }
0xe6: {  	vm1 =	vmand vm4, vm1;
	v12 =	vadd.f32 v18, v12;
	(erf) = vpow2.f32 v13  }
0xe7: {  	v55 =	vld [tilespmem:s29+$0x8000];
	v19 =	vadd.f32 v50, v10;
	v14 =	vadd.f32 v14, v5;
	vm3 =	veq.s32 v52, $0x0  }
0xe8: {  	v56 =	vld [tilespmem:s29+$0x8010];
	v16 =	vadd.f32 v20, v16;
	vm6 =	vgt.f32 v12, $0.0e+00;
	vm7 =	vmneg vm3  }
0xe9: {  	v14 =	vadd.f32 v19, v14;
	vm0 =	vmand vm3, vm0;
	vm6 =	vmand vm7, vm6  }
0xea: {  	v57 =	vpop (erf);
	v20 =	vadd.f32 v58, v6;
	vm3 =	vmand vm5, vm2;
	vm2 =	vmor vm0, vm6  }
0xeb: {  	v59 =	vpop (erf);
	vm8 =	vgt.f32 v14, $0.0e+00;
	vm10 =	vgt.f32 v16, $0.0e+00;
	v12 =	vsel vm2, v1, v0  }
0xec: {  	v18 =	vadd.f32 v55, v6;
	vm7 =	vmand vm9, vm8;
	vm8 =	vmand vm11, vm10;
	v13 =	vpop (erf)  }
0xed: {  	v16 =	vadd.f32 v56, v6;
	vm0 =	vmor vm1, vm7;
	vm1 =	vmor vm3, vm8;
	v14 =	vpop (erf)  }
0xee: {  	v60 =	vsel vm0, v1, v0;
	v61 =	vsel vm1, v1, v0;
	v26 =	vadd.f32 v12, v8;
	v12 =	vpop (erf)  }
0xef: {  	v17 =	vand.u32 $0x4, v38;
	v23 =	vadd.f32 v60, v10;
	v24 =	vadd.f32 v61, v11;
	v27 =	vpop (erf)  }
0xf0: {  	vm4 =	veq.s32 v25, $0x0;
	v18 =	vadd.f32 v26, v18;
	v62 =	vadd.f32 $1.000000000e+00, v27  }
0xf1: {  	[tilespmem:s26+$0x18030] =	vst v15;
	vm5 =	veq.s32 v22, $0x0;
	v15 =	vadd.f32 v23, v16;
	v63 =	vadd.f32 v24, v20  }
0xf2: {  	[tilespmem:s28+$0x18030] =	vst v57;
	vm9 =	vmneg vm4;
	vm3 =	veq.s32 v17, $0x0;
	(erf) = vrcp.f32 v62  }
0xf3: {  	s31 =	simm.s32 $0x8;
	s0 =	simm.s32 $0x600;
	s19 =	simm.s32 $0xC0;
	[tilespmem:s26+$0x18000] =	vst v59;
	vm8 =	vgt.f32 v18, $0.0e+00;
	vm6 =	vgt.f32 v15, $0.0e+00;
	vm7 =	vgt.f32 v63, $0.0e+00  }
.LBB2_2:
0xf4: {  	s22 =	sand.u32 $0x1800, s19;
	s3 =	sand.u32 $0x400, s0;
	vm8 =	vmand vm9, vm8;
	vm9 =	vmneg vm3;
	vm10 =	vmneg vm5;
	s30 =	sadd.s32 $0x20, s30  }
0xf5: {  	s31 =	sadd.s32 $0x4, s31;
	vm2 =	vmand vm4, vm2;
	s3 =	sor.u32 s3, s22;
	s22 =	sand.u32 $0x380, s30;
	vm4 =	vmand vm9, vm6;
	vm6 =	vmand vm10, vm7  }
0xf6: {  	s4 =	sand.u32 $0x40, s19;
	vm0 =	vmand vm3, vm0;
	vm1 =	vmand vm5, vm1;
	p0 =	slt.u32 s31, $0x1FC;
	vm2 =	vmor vm2, vm8;
	s3 =	sor.u32 s22, s3  }
0xf7: {  	v15 =	vsel vm2, v1, v0;
	vm0 =	vmor vm0, vm4;
	vm1 =	vmor vm1, vm6;
	s22 =	sor.u32 s4, s3  }
0xf8: {  	v8 =	vadd.f32 v15, v8;
	v15 =	vsel vm0, v1, v0;
	v17 =	vsel vm1, v1, v0;
	v16 =	vld [tilespmem:s22+$0x30]  }
0xf9: {  	v10 =	vadd.f32 v15, v10;
	v11 =	vadd.f32 v17, v11;
	v19 =	vld [tilespmem:s22+$0x2030];
	(erf) = vrcp.f32 v7  }
0xfa: {  	v7 =	vadd.f32 v8, v3;
	v8 =	vadd.f32 $1.000000000e+00, v13;
	v15 =	vld [tilespmem:s22+$0x0];
	(erf) = vrcp.f32 v9  }
0xfb: {  	v10 =	vadd.f32 v10, v3;
	v11 =	vadd.f32 v11, v3;
	v9 =	vld [tilespmem:s22+$0x4030];
	v13 =	vpop (erf)  }
0xfc: {  	v20 =	vsub.f32 $0.0e+00, v7;
	v7 =	vadd.f32 $1.000000000e+00, v14;
	v17 =	vld [tilespmem:s22+$0x2000];
	[tilespmem:s29+$0x18030] =	vst v13;
	(erf) = vrcp.f32 v8  }
0xfd: {  	v10 =	vsub.f32 $0.0e+00, v10;
	v11 =	vsub.f32 $0.0e+00, v11;
	v21 =	vld [tilespmem:s22+$0xA030]  }
0xfe: {  	v18 =	vmul.f32 v16, v2;
	v14 =	vmul.f32 $1.442695020e+00, v20;
	v13 =	vld [tilespmem:s22+$0x10];
	vm2 =	veq.s32 v19, $0x1  }
0xff: {  	v19 =	vmul.f32 $1.442695020e+00, v10;
	v8 =	vmul.f32 v15, v2;
	v15 =	vld [tilespmem:s22+$0x2010];
	v16 =	vsel vm2, v1, v0  }
0x100: {  	v22 =	vmul.f32 $1.442695020e+00, v11;
	v20 =	vld [tilespmem:s22+$0x20];
	v10 =	vadd.f32 v16, v18;
	v16 =	vadd.f32 v9, v4  }
0x101: {  	v9 =	vadd.f32 $1.000000000e+00, v12;
	vm0 =	veq.s32 v17, $0x1;
	v17 =	vld [tilespmem:s22+$0x2020];
	(erf) = vpow2.f32 v14  }
0x102: {  	v25 =	vsel vm0, v1, v0;
	v12 =	vld [tilespmem:s22+$0x4000];
	v14 =	vadd.f32 v16, v10;
	v16 =	vand.u32 $0x1, v21;
	v23 =	vpop (erf)  }
0x103: {  	v24 =	vadd.f32 v25, v8;
	v10 =	vmul.f32 v13, v2;
	vm3 =	veq.s32 v16, $0x0;
	v13 =	vld [tilespmem:s22+$0x6030];
	[tilespmem:s26+$0x18010] =	vst v23;
	v11 =	vpop (erf)  }
0x104: {  	vm1 =	veq.s32 v15, $0x1;
	v23 =	vld [tilespmem:s22+$0x4010];
	vm4 =	vgt.f32 v14, $0.0e+00;
	vm5 =	vmneg vm3;
	[tilespmem:s26+$0x18020] =	vst v11;
	s26 =	smov.u32 s28;
	s28 =	smov.u32 s29;
	s29 =	smov.u32 s22  }
0x105: {  	vm3 =	vmand vm3, vm2;
	v11 =	vmul.f32 v20, v2;
	v14 =	vld [tilespmem:s29+$0x4020];
	vm4 =	vmand vm5, vm4;
	v16 =	vpop (erf)  }
0x106: {  	v20 =	vsel vm1, v1, v0;
	v15 =	vld [tilespmem:s29+$0xA000];
	vm2 =	veq.s32 v17, $0x1;
	vm3 =	vmor vm3, vm4;
	[tilespmem:s26+$0x18000] =	vst v16  }
0x107: {  	v20 =	vadd.f32 v20, v10;
	v16 =	vld [tilespmem:s29+$0xA010];
	v25 =	vsel vm2, v1, v0;
	v26 =	vsel vm3, v1, v0  }
0x108: {  	v17 =	vld [tilespmem:s29+$0xA020];
	v26 =	vadd.f32 v26, v18;
	v28 =	vadd.f32 v13, v5;
	(erf) = vpow2.f32 v19  }
0x109: {  	v12 =	vadd.f32 v12, v4;
	v25 =	vadd.f32 v25, v11;
	v19 =	vld [tilespmem:s29+$0x6000];
	(erf) = vpow2.f32 v22  }
0x10a: {  	v27 =	vand.u32 $0x2, v21;
	v22 =	vadd.f32 v23, v4;
	v23 =	vld [tilespmem:s29+$0x6010];
	v26 =	vadd.f32 v26, v28;
	v13 =	vpop (erf)  }
0x10b: {  	vm4 =	veq.s32 v27, $0x0;
	v12 =	vadd.f32 v12, v24;
	v14 =	vadd.f32 v14, v4;
	v24 =	vld [tilespmem:s29+$0x8030]  }
0x10c: {  	vm6 =	vmneg vm4;
	v20 =	vadd.f32 v22, v20;
	v22 =	vld [tilespmem:s29+$0x6020];
	vm5 =	vgt.f32 v26, $0.0e+00  }
0x10d: {  	vm3 =	vmand vm4, vm3;
	v25 =	vadd.f32 v14, v25;
	v26 =	vld [tilespmem:s29+$0x8000];
	vm4 =	vmand vm6, vm5  }
0x10e: {  	v14 =	vand.u32 $0x1, v15;
	v27 =	vand.u32 $0x1, v16;
	v28 =	vld [tilespmem:s29+$0x8010];
	vm4 =	vmor vm3, vm4  }
0x10f: {  	v31 =	vand.u32 $0x1, v17;
	vm3 =	veq.s32 v14, $0x0;
	v29 =	vld [tilespmem:s29+$0x8020];
	v30 =	vsel vm4, v1, v0  }
0x110: {  	vm5 =	veq.s32 v27, $0x0;
	v27 =	vadd.f32 v30, v18;
	v24 =	vadd.f32 v24, v6  }
0x111: {  	vm6 =	vgt.f32 v12, $0.0e+00;
	vm7 =	vgt.f32 v20, $0.0e+00;
	vm8 =	veq.s32 v31, $0x0;
	v14 =	vpop (erf)  }
0x112: {  	v21 =	vand.u32 $0x4, v21;
	vm9 =	vgt.f32 v25, $0.0e+00;
	v20 =	vadd.f32 v27, v24;
	v12 =	vpop (erf)  }
0x113: {  	vm12 =	veq.s32 v21, $0x0;
	vm11 =	vmneg vm5;
	vm10 =	vmneg vm3  }
0x114: {  	vm15 =	vmneg vm12;
	vm13 =	vmneg vm8;
	vm14 =	vgt.f32 v20, $0.0e+00  }
0x115: {  	vm4 =	vmand vm12, vm4;
	vm6 =	vmand vm10, vm6;
	vm10 =	vmand vm15, vm14  }
0x116: {  	vm7 =	vmand vm11, vm7;
	vm9 =	vmand vm13, vm9;
	vm4 =	vmor vm4, vm10  }
0x117: {  	vm1 =	vmand vm5, vm1;
	vm0 =	vmand vm3, vm0;
	v20 =	vsel vm4, v1, v0  }
0x118: {  	vm2 =	vmand vm8, vm2;
	vm0 =	vmor vm0, vm6;
	v18 =	vadd.f32 v20, v18  }
0x119: {  	vm1 =	vmor vm1, vm7;
	vm2 =	vmor vm2, vm9;
	v20 =	vsel vm0, v1, v0  }
0x11a: {  	v21 =	vsel vm1, v1, v0;
	v24 =	vsel vm2, v1, v0;
	v18 =	vadd.f32 v18, v3  }
0x11b: {  	v25 =	vand.u32 $0x2, v15;
	v21 =	vadd.f32 v21, v10;
	v20 =	vadd.f32 v20, v8  }
0x11c: {  	v27 =	vand.u32 $0x2, v16;
	v24 =	vadd.f32 v24, v11;
	v18 =	vsub.f32 $0.0e+00, v18  }
0x11d: {  	v19 =	vadd.f32 v19, v5;
	v23 =	vadd.f32 v23, v5;
	v30 =	vand.u32 $0x2, v17  }
0x11e: {  	vm3 =	veq.s32 v25, $0x0;
	v22 =	vadd.f32 v22, v5;
	v18 =	vmul.f32 $1.442695020e+00, v18  }
0x11f: {  	vm4 =	veq.s32 v27, $0x0;
	v19 =	vadd.f32 v20, v19;
	v20 =	vadd.f32 v21, v23  }
0x120: {  	vm5 =	veq.s32 v30, $0x0;
	v21 =	vadd.f32 v24, v22;
	(erf) = vpow2.f32 v18  }
0x121: {  	vm7 =	vmneg vm3;
	vm6 =	vgt.f32 v19, $0.0e+00;
	vm8 =	vgt.f32 v20, $0.0e+00  }
0x122: {  	vm11 =	vmneg vm5;
	vm9 =	vmneg vm4;
	vm10 =	vgt.f32 v21, $0.0e+00  }
0x123: {  	vm6 =	vmand vm7, vm6;
	vm7 =	vmand vm9, vm8;
	vm8 =	vmand vm11, vm10  }
0x124: {  	vm0 =	vmand vm3, vm0;
	vm1 =	vmand vm4, vm1;
	vm3 =	vmand vm5, vm2  }
0x125: {  	vm2 =	vmor vm0, vm6;
	vm0 =	vmor vm1, vm7;
	vm1 =	vmor vm3, vm8  }
0x126: {  	v18 =	vsel vm2, v1, v0;
	v19 =	vsel vm0, v1, v0;
	v20 =	vsel vm1, v1, v0  }
0x127: {  	v15 =	vand.u32 $0x4, v15;
	v18 =	vadd.f32 v18, v8;
	v19 =	vadd.f32 v19, v10  }
0x128: {  	v16 =	vand.u32 $0x4, v16;
	v21 =	vadd.f32 v26, v6;
	v20 =	vadd.f32 v20, v11  }
.Ltmp0:
0x129: {  	v17 =	vand.u32 $0x4, v17;
	v22 =	vadd.f32 v28, v6;
	v23 =	vadd.f32 v29, v6;
	v24 =	vpop (erf);
	(pc) =	sbr.rel @p0 .LBB2_2-.Ltmp0, $4  }
0x12a: {  	vm4 =	veq.s32 v15, $0x0;
	v18 =	vadd.f32 v18, v21;
	v15 =	vadd.f32 $1.000000000e+00, v24  }
0x12b: {  	vm3 =	veq.s32 v16, $0x0;
	v19 =	vadd.f32 v19, v22;
	v16 =	vadd.f32 v20, v23  }
0x12c: {  	vm5 =	veq.s32 v17, $0x0;
	vm8 =	vgt.f32 v18, $0.0e+00;
	(erf) = vrcp.f32 v15  }
0x12d: {  	s0 =	sadd.s32 $0x200, s0;
	s19 =	sadd.s32 $0x40, s19;
	vm9 =	vmneg vm4;
	vm6 =	vgt.f32 v19, $0.0e+00;
	vm7 =	vgt.f32 v16, $0.0e+00  }
0x12e: {  	vm8 =	vmand vm9, vm8;
	vm9 =	vmneg vm3  }
0x12f: {  	vm10 =	vmneg vm5;
	vm2 =	vmand vm4, vm2;
	vm0 =	vmand vm3, vm0  }
0x130: {  	vm1 =	vmand vm5, vm1;
	vm4 =	vmand vm9, vm6;
	vm2 =	vmor vm2, vm8  }
0x131: {  	vm6 =	vmand vm10, vm7;
	v15 =	vsel vm2, v1, v0;
	vm0 =	vmor vm0, vm4  }
0x132: {  	vm1 =	vmor vm1, vm6;
	v8 =	vadd.f32 v15, v8;
	v15 =	vsel vm0, v1, v0  }
0x133: {  	v16 =	vsel vm1, v1, v0;
	v10 =	vadd.f32 v15, v10  }
0x134: {  	v11 =	vadd.f32 v16, v11;
	v8 =	vadd.f32 v8, v3  }
0x135: {  	v10 =	vadd.f32 v10, v3  }
0x136: {  	v11 =	vadd.f32 v11, v3;
	v8 =	vsub.f32 $0.0e+00, v8  }
0x137: {  	(erf) = vrcp.f32 v7;
	v7 =	vadd.f32 $1.000000000e+00, v13;
	v10 =	vsub.f32 $0.0e+00, v10  }
0x138: {  	(erf) = vrcp.f32 v9;
	v9 =	vsub.f32 $0.0e+00, v11;
	v8 =	vmul.f32 $1.442695020e+00, v8  }
0x139: {  	(erf) = vrcp.f32 v7;
	v7 =	vmul.f32 $1.442695020e+00, v10  }
0x13a: {  	v9 =	vmul.f32 $1.442695020e+00, v9;
	(erf) = vpow2.f32 v8  }
0x13b: {  	(erf) = vpow2.f32 v7  }
0x13c: {  	(erf) = vpow2.f32 v9;
	_ =	sdelay $0x2  }
0x13d: {  	v7 =	vpop (erf)  }
0x13e: {  	v8 =	vpop (erf)  }
0x13f: {  	v9 =	vpop (erf)  }
0x140: {  	v10 =	vadd.f32 $1.000000000e+00, v14;
	v11 =	vpop (erf)  }
0x141: {  	v12 =	vadd.f32 $1.000000000e+00, v12;
	v13 =	vpop (erf)  }
0x142: {  	(erf) = vrcp.f32 v10;
	v14 =	vpop (erf);
	v10 =	vadd.f32 $1.000000000e+00, v13  }
0x143: {  	(erf) = vrcp.f32 v12;
	v13 =	vpop (erf);
	v12 =	vadd.f32 $1.000000000e+00, v14  }
0x144: {  	(erf) = vrcp.f32 v10;
	v10 =	vadd.f32 $1.000000000e+00, v13  }
0x145: {  	(erf) = vrcp.f32 v12  }
0x146: {  	(erf) = vrcp.f32 v10;
	_ =	sdelay $0x1  }
0x147: {  	[tilespmem:s29+$0x18030] =	vst v7  }
0x148: {  	[tilespmem:s26+$0x18010] =	vst v8  }
0x149: {  	[tilespmem:s26+$0x18020] =	vst v9  }
0x14a: {  	[tilespmem:s28+$0x18000] =	vst v11;
	v7 =	vpop (erf)  }
0x14b: {  	[tilespmem:s28+$0x18010] =	vst v7;
	v7 =	vpop (erf)  }
0x14c: {  	[tilespmem:s28+$0x18020] =	vst v7;
	v7 =	vpop (erf)  }
0x14d: {  	[tilespmem:s29+$0x18000] =	vst v7;
	v7 =	vpop (erf)  }
0x14e: {  	[tilespmem:s29+$0x18010] =	vst v7;
	v7 =	vpop (erf)  }
0x14f: {  	s0 =	simm.s32 $0x0;
	s3 =	simm.s32 $0x18000;
	[tilespmem:s29+$0x18020] =	vst v7  }
0x150: {  	[hbm4b:s16+s0] =	stream.linear.scatter [tilespmem:s3], [sflag:$0x3], $0x2000, $0x38;
	[tilespmem:$0x1C100] =	vst v63  }
0x151: {  	_ =	swait.ge [sflag:s21], $0x2000  }
0x152: {  	[sflag:s21] =	ssyncset.done $0x0  }
0x153: {  	[sflag:s21] =	ssyncadd.s32 $0xFFFFE000  }
0x154: {  	_ =	swait.ge [sflag:s21], $0x2000  }
0x155: {  	[sflag:s21] =	ssyncset.done $0x0  }
0x156: {  	[sflag:s21] =	ssyncadd.s32 $0xFFFFE000  }
0x157: {  	_ =	swait.ge [sflag:s21], $0x2000  }
0x158: {  	[sflag:s21] =	ssyncset.done $0x0  }
0x159: {  	[sflag:s21] =	ssyncadd.s32 $0xFFFFE000  }
0x15a: {  	_ =	swait.ge [sflag:s21], $0x2000  }
0x15b: {  	[sflag:s21] =	ssyncset.done $0x0  }
0x15c: {  	[sflag:s21] =	ssyncadd.s32 $0xFFFFE000  }
0x15d: {  	_ =	swait.ge [sflag:s21], $0x2000  }
0x15e: {  	[sflag:s21] =	ssyncset.done $0x0  }
0x15f: {  	s22 =	sand.u32 $0x1800, s0;
	s4 =	sand.u32 $0x400, s0;
	[sflag:s21] =	ssyncadd.s32 $0xFFFFE000  }
0x160: {  	s26 =	sand.u32 $0x380, s0;
	s3 =	sor.u32 s4, s22;
	_ =	swait.ge [sflag:s21], $0x2000  }
0x161: {  	s0 =	sand.u32 $0x40, s0;
	s3 =	sor.u32 s26, s3;
	[sflag:s21] =	ssyncset.done $0x0  }
0x162: {  	s26 =	sor.u32 s0, s3;
	[sflag:s21] =	ssyncadd.s32 $0xFFFFE000  }
0x163: {  	v7 =	vld [tilespmem:s26+$0xC030]  }
0x164: {  	v8 =	vld [tilespmem:s26+$0xE030]  }
0x165: {  	v10 =	vld [tilespmem:s26+$0x10030]  }
0x166: {  	v11 =	vld [tilespmem:s26+$0xE000]  }
0x167: {  	v12 =	vld [tilespmem:s26+$0x16030]  }
0x168: {  	s19 =	simm.s32 $0x200;
	s3 =	simm.s32 $0x40;
	v14 =	vld [tilespmem:s26+$0xE010]  }
0x169: {  	s0 =	sand.u32 $0x400, s19;
	s19 =	simm.s32 $0x20;
	s22 =	sand.u32 $0x1800, s3;
	v17 =	vld [tilespmem:s26+$0x10000]  }
0x16a: {  	s0 =	sor.u32 s0, s22;
	s22 =	sand.u32 $0x380, s19;
	v19 =	vld [tilespmem:s26+$0x16000]  }
0x16b: {  	s3 =	sand.u32 $0x40, s3;
	s0 =	sor.u32 s22, s0;
	v21 =	vld [tilespmem:s26+$0x16010]  }
0x16c: {  	s28 =	sor.u32 s3, s0;
	v22 =	vld [tilespmem:s26+$0x16020]  }
0x16d: {  	v40 =	vld [tilespmem:s28+$0x10020]  }
0x16e: {  	v41 =	vld [tilespmem:s28+$0x16000]  }
0x16f: {  	v23 =	vld [tilespmem:s28+$0x16010]  }
0x170: {  	v44 =	vld [tilespmem:s28+$0x16020];
	v13 =	vmul.f32 v7, v2;
	vm2 =	veq.s32 v8, $0x1  }
0x171: {  	v10 =	vadd.f32 v10, v4;
	vm0 =	veq.s32 v11, $0x1;
	vm1 =	veq.s32 v14, $0x1  }
0x172: {  	v9 =	vld [tilespmem:s26+$0xC000];
	v17 =	vadd.f32 v17, v4;
	v24 =	vand.u32 $0x2, v12;
	v28 =	vand.u32 $0x2, v19  }
0x173: {  	v29 =	vand.u32 $0x2, v21;
	v30 =	vand.u32 $0x2, v22;
	v31 =	vand.u32 $0x4, v19  }
0x174: {  	v32 =	vand.u32 $0x4, v21;
	v45 =	vadd.f32 v40, v4;
	v46 =	vand.u32 $0x1, v23  }
0x175: {  	v8 =	vld [tilespmem:s26+$0xC010];
	v47 =	vand.u32 $0x1, v44;
	v49 =	vand.u32 $0x2, v41;
	v7 =	vsel vm2, v1, v0  }
0x176: {  	v14 =	vld [tilespmem:s26+$0x10020];
	v50 =	vand.u32 $0x2, v23;
	v51 =	vand.u32 $0x2, v44;
	v15 =	vadd.f32 v7, v13  }
0x177: {  	v56 =	vand.u32 $0x4, v41;
	v57 =	vand.u32 $0x4, v23;
	v7 =	vmul.f32 v9, v2;
	v9 =	vld [tilespmem:s26+$0xC020]  }
0x178: {  	v11 =	vld [tilespmem:s26+$0xE020];
	v62 =	vsel vm0, v1, v0;
	v10 =	vadd.f32 v10, v15;
	v15 =	vand.u32 $0x1, v12  }
0x179: {  	v18 =	vsel vm1, v1, v0;
	v16 =	vadd.f32 v62, v7;
	vm3 =	veq.s32 v15, $0x0;
	v15 =	vld [tilespmem:s26+$0x12030]  }
0x17a: {  	v8 =	vmul.f32 v8, v2;
	vm4 =	vgt.f32 v10, $0.0e+00;
	vm5 =	vmneg vm3;
	v10 =	vld [tilespmem:s26+$0x10010]  }
0x17b: {  	v25 =	vld [tilespmem:s26+$0x14030];
	v14 =	vadd.f32 v14, v4;
	vm2 =	vmand vm3, vm2;
	vm3 =	vmand vm5, vm4  }
0x17c: {  	v16 =	vadd.f32 v17, v16;
	v9 =	vmul.f32 v9, v2;
	vm3 =	vmor vm2, vm3  }
0x17d: {  	vm2 =	veq.s32 v11, $0x1;
	v11 =	vadd.f32 v18, v8;
	v63 =	vsel vm3, v1, v0  }
0x17e: {  	v20 =	vsel vm2, v1, v0;
	v18 =	vadd.f32 v63, v13;
	v15 =	vadd.f32 v15, v5  }
0x17f: {  	vm4 =	veq.s32 v24, $0x0;
	v20 =	vadd.f32 v20, v9;
	v10 =	vadd.f32 v10, v4  }
0x180: {  	v17 =	vadd.f32 v25, v6;
	vm6 =	vmneg vm4;
	v15 =	vadd.f32 v18, v15  }
0x181: {  	vm3 =	vmand vm4, vm3;
	v10 =	vadd.f32 v10, v11;
	v11 =	vadd.f32 v14, v20  }
0x182: {  	v14 =	vand.u32 $0x1, v19;
	vm5 =	vgt.f32 v15, $0.0e+00;
	v15 =	vand.u32 $0x1, v21  }
0x183: {  	vm4 =	vmand vm6, vm5;
	vm5 =	veq.s32 v15, $0x0;
	vm6 =	vgt.f32 v16, $0.0e+00  }
0x184: {  	vm7 =	vgt.f32 v10, $0.0e+00;
	vm9 =	vgt.f32 v11, $0.0e+00;
	v11 =	vand.u32 $0x4, v12  }
0x185: {  	vm3 =	vmor vm3, vm4;
	vm4 =	veq.s32 v14, $0x0;
	v14 =	vand.u32 $0x1, v22  }
0x186: {  	vm11 =	vmneg vm5;
	vm12 =	veq.s32 v11, $0x0;
	v26 =	vsel vm3, v1, v0  }
0x187: {  	vm1 =	vmand vm5, vm1;
	vm5 =	veq.s32 v30, $0x0;
	v15 =	vadd.f32 v26, v13  }
0x188: {  	v12 =	vld [tilespmem:s26+$0x12010];
	vm8 =	veq.s32 v14, $0x0;
	vm10 =	vmneg vm4;
	vm15 =	vmneg vm12  }
0x189: {  	vm3 =	vmand vm12, vm3;
	vm7 =	vmand vm11, vm7;
	v10 =	vadd.f32 v15, v17  }
0x18a: {  	vm0 =	vmand vm4, vm0;
	vm4 =	veq.s32 v29, $0x0;
	vm11 =	vmneg vm5  }
0x18b: {  	vm13 =	vmneg vm8;
	vm6 =	vmand vm10, vm6;
	vm14 =	vgt.f32 v10, $0.0e+00  }
0x18c: {  	vm9 =	vmand vm13, vm9;
	vm0 =	vmor vm0, vm6;
	v10 =	vld [tilespmem:s26+$0x12000];
	vm10 =	vmand vm15, vm14  }
0x18d: {  	v14 =	vsel vm0, v1, v0;
	v12 =	vadd.f32 v12, v5;
	vm3 =	vmor vm3, vm10  }
0x18e: {  	v14 =	vadd.f32 v14, v7;
	v11 =	vsel vm3, v1, v0;
	vm3 =	vmand vm8, vm2  }
0x18f: {  	vm2 =	vmor vm1, vm7;
	v11 =	vadd.f32 v11, v13;
	vm1 =	vmor vm3, vm9  }
0x190: {  	v13 =	vld [tilespmem:s26+$0x12020];
	v15 =	vsel vm2, v1, v0;
	vm3 =	veq.s32 v28, $0x0;
	vm9 =	vmneg vm4  }
0x191: {  	vm4 =	vmand vm4, vm2;
	v15 =	vadd.f32 v15, v8;
	v10 =	vadd.f32 v10, v5  }
0x192: {  	v27 =	vsel vm1, v1, v0;
	vm7 =	vmneg vm3;
	v11 =	vadd.f32 v11, v3  }
0x193: {  	vm0 =	vmand vm3, vm0;
	v10 =	vadd.f32 v14, v10;
	v12 =	vadd.f32 v15, v12  }
0x194: {  	vm1 =	vmand vm5, vm1;
	v16 =	vadd.f32 v27, v9;
	v11 =	vsub.f32 $0.0e+00, v11  }
0x195: {  	v13 =	vadd.f32 v13, v5;
	vm6 =	vgt.f32 v10, $0.0e+00;
	vm8 =	vgt.f32 v12, $0.0e+00;
	v10 =	vld [tilespmem:s26+$0x14000]  }
0x196: {  	v12 =	vld [tilespmem:s26+$0x14020];
	v11 =	vmul.f32 $1.442695020e+00, v11;
	vm6 =	vmand vm7, vm6;
	vm7 =	vmand vm9, vm8  }
0x197: {  	v13 =	vadd.f32 v16, v13;
	vm2 =	vmor vm0, vm6;
	vm0 =	vmor vm4, vm7  }
0x198: {  	vm4 =	veq.s32 v32, $0x0;
	(erf) = vpow2.f32 v11;
	v11 =	vld [tilespmem:s26+$0x14010];
	v14 =	vsel vm0, v1, v0  }
0x199: {  	vm0 =	vmand vm4, vm0;
	vm10 =	vgt.f32 v13, $0.0e+00;
	v13 =	vsel vm2, v1, v0  }
0x19a: {  	vm3 =	vmand vm11, vm10;
	v13 =	vadd.f32 v13, v7;
	v10 =	vadd.f32 v10, v6  }
0x19b: {  	v14 =	vadd.f32 v14, v8;
	v12 =	vadd.f32 v12, v6;
	vm1 =	vmor vm1, vm3  }
0x19c: {  	vm3 =	veq.s32 v31, $0x0;
	v15 =	vsel vm1, v1, v0;
	v10 =	vadd.f32 v13, v10  }
0x19d: {  	v13 =	vand.u32 $0x4, v22;
	vm7 =	vmneg vm3;
	v11 =	vadd.f32 v11, v6  }
0x19e: {  	vm2 =	vmand vm3, vm2;
	v15 =	vadd.f32 v15, v9;
	vm6 =	veq.s32 v13, $0x0  }
0x19f: {  	vm5 =	vgt.f32 v10, $0.0e+00;
	vm10 =	vmneg vm6;
	v11 =	vadd.f32 v14, v11  }
0x1a0: {  	vm1 =	vmand vm6, vm1;
	v12 =	vadd.f32 v15, v12;
	vm5 =	vmand vm7, vm5  }
0x1a1: {  	v13 =	vld [tilespmem:s28+$0xE030];
	vm7 =	vmneg vm4;
	vm2 =	vmor vm2, vm5;
	vm8 =	vgt.f32 v11, $0.0e+00  }
0x1a2: {  	vm9 =	vgt.f32 v12, $0.0e+00;
	v10 =	vsel vm2, v1, v0;
	v11 =	vld [tilespmem:s28+$0xC030];
	vm3 =	vmand vm7, vm8  }
0x1a3: {  	vm7 =	vmand vm10, vm9;
	v7 =	vadd.f32 v10, v7;
	vm0 =	vmor vm0, vm3  }
0x1a4: {  	v36 =	vld [tilespmem:s28+$0xC020];
	v22 =	vand.u32 $0x4, v44;
	vm1 =	vmor vm1, vm7;
	v10 =	vsel vm0, v1, v0  }
0x1a5: {  	v12 =	vpop (erf);
	v14 =	vsel vm1, v1, v0;
	v7 =	vadd.f32 v7, v3;
	v8 =	vadd.f32 v10, v8;
	v10 =	vld [tilespmem:s28+$0xC000]  }
0x1a6: {  	s4 =	simm.s32 $0x400;
	s3 =	simm.s32 $0x80;
	vm2 =	veq.s32 v13, $0x1;
	v12 =	vadd.f32 $1.000000000e+00, v12;
	v9 =	vadd.f32 v14, v9;
	v14 =	vld [tilespmem:s28+$0x10030]  }
0x1a7: {  	s30 =	simm.s32 $0x40;
	s0 =	sand.u32 $0x400, s4;
	s19 =	sand.u32 $0x1800, s3;
	v15 =	vld [tilespmem:s28+$0xE000];
	v34 =	vsel vm2, v1, v0;
	v7 =	vsub.f32 $0.0e+00, v7;
	v11 =	vmul.f32 v11, v2  }
0x1a8: {  	s22 =	sand.u32 $0x380, s30;
	s0 =	sor.u32 s0, s19;
	(erf) = vrcp.f32 v12;
	v12 =	vld [tilespmem:s28+$0x16030];
	v8 =	vadd.f32 v8, v3;
	v9 =	vadd.f32 v9, v3  }
0x1a9: {  	s3 =	sand.u32 $0x40, s3;
	s0 =	sor.u32 s22, s0;
	v13 =	vld [tilespmem:s28+$0xC010];
	vm8 =	veq.s32 v47, $0x0;
	v33 =	vmul.f32 $1.442695020e+00, v7;
	v17 =	vadd.f32 v34, v11  }
0x1aa: {  	s29 =	sor.u32 s3, s0;
	v39 =	vld [tilespmem:s28+$0x10000];
	vm15 =	vmneg vm8;
	v8 =	vsub.f32 $0.0e+00, v8;
	v9 =	vsub.f32 $0.0e+00, v9  }
0x1ab: {  	v34 =	vld [tilespmem:s29+$0x10000];
	v7 =	vmul.f32 v10, v2;
	v14 =	vadd.f32 v14, v4;
	(erf) = vpow2.f32 v33  }
0x1ac: {  	vm0 =	veq.s32 v15, $0x1;
	v10 =	vld [tilespmem:s28+$0xE010];
	v35 =	vmul.f32 $1.442695020e+00, v8;
	v37 =	vmul.f32 $1.442695020e+00, v9  }
0x1ad: {  	v15 =	vld [tilespmem:s28+$0xE020];
	v8 =	vsel vm0, v1, v0;
	v9 =	vadd.f32 v14, v17;
	v14 =	vand.u32 $0x1, v12  }
0x1ae: {  	v38 =	vadd.f32 v8, v7;
	v8 =	vmul.f32 v13, v2;
	vm3 =	veq.s32 v14, $0x0;
	v14 =	vld [tilespmem:s28+$0x12030]  }
0x1af: {  	v33 =	vld [tilespmem:s29+$0x12030];
	v17 =	vadd.f32 v39, v4;
	vm4 =	vgt.f32 v9, $0.0e+00;
	vm5 =	vmneg vm3  }
0x1b0: {  	(erf) = vpow2.f32 v35;
	vm2 =	vmand vm3, vm2;
	vm3 =	vmand vm5, vm4  }
0x1b1: {  	v20 =	vadd.f32 v34, v4;
	vm1 =	veq.s32 v10, $0x1;
	v10 =	vld [tilespmem:s28+$0x10010];
	vm3 =	vmor vm2, vm3  }
0x1b2: {  	v9 =	vmul.f32 v36, v2;
	vm2 =	veq.s32 v15, $0x1;
	v15 =	vsel vm3, v1, v0  }
0x1b3: {  	(erf) = vpow2.f32 v37;
	v15 =	vadd.f32 v15, v11;
	v14 =	vadd.f32 v14, v5  }
0x1b4: {  	v16 =	vadd.f32 v17, v38;
	v19 =	vadd.f32 v33, v5;
	v13 =	vsel vm1, v1, v0  }
0x1b5: {  	v13 =	vadd.f32 v13, v8;
	v42 =	vsel vm2, v1, v0;
	v14 =	vadd.f32 v15, v14  }
0x1b6: {  	v15 =	vand.u32 $0x2, v12;
	v10 =	vadd.f32 v10, v4;
	v12 =	vand.u32 $0x4, v12  }
0x1b7: {  	v43 =	vadd.f32 v42, v9;
	vm4 =	veq.s32 v15, $0x0;
	vm11 =	veq.s32 v12, $0x0  }
0x1b8: {  	v15 =	vld [tilespmem:s28+$0x14030];
	vm5 =	vgt.f32 v14, $0.0e+00;
	vm6 =	vmneg vm4;
	v10 =	vadd.f32 v10, v13  }
0x1b9: {  	vm3 =	vmand vm4, vm3;
	v13 =	vadd.f32 v45, v43;
	v14 =	vand.u32 $0x1, v41  }
0x1ba: {  	vm14 =	vmneg vm11;
	vm4 =	vmand vm6, vm5;
	vm5 =	veq.s32 v46, $0x0  }
0x1bb: {  	vm6 =	vgt.f32 v16, $0.0e+00;
	vm3 =	vmor vm3, vm4;
	vm4 =	veq.s32 v14, $0x0  }
0x1bc: {  	vm7 =	vgt.f32 v10, $0.0e+00;
	vm9 =	vgt.f32 v13, $0.0e+00;
	v14 =	vsel vm3, v1, v0  }
0x1bd: {  	vm12 =	vmneg vm5;
	v14 =	vadd.f32 v14, v11;
	v15 =	vadd.f32 v15, v6  }
0x1be: {  	v13 =	vld [tilespmem:s28+$0x12010];
	vm1 =	vmand vm5, vm1;
	vm5 =	veq.s32 v51, $0x0;
	vm10 =	vmneg vm4  }
0x1bf: {  	vm0 =	vmand vm4, vm0;
	vm6 =	vmand vm10, vm6;
	v10 =	vadd.f32 v14, v15  }
0x1c0: {  	vm3 =	vmand vm11, vm3;
	vm7 =	vmand vm12, vm7;
	vm0 =	vmor vm0, vm6  }
0x1c1: {  	vm9 =	vmand vm15, vm9;
	v14 =	vsel vm0, v1, v0;
	vm13 =	vgt.f32 v10, $0.0e+00  }
0x1c2: {  	vm4 =	veq.s32 v50, $0x0;
	v14 =	vadd.f32 v14, v7;
	v10 =	vld [tilespmem:s28+$0x12000];
	vm11 =	vmand vm14, vm13  }
0x1c3: {  	v13 =	vadd.f32 v13, v5;
	vm3 =	vmor vm3, vm11;
	vm11 =	vmneg vm5  }
0x1c4: {  	v12 =	vsel vm3, v1, v0;
	vm3 =	vmand vm8, vm2;
	vm2 =	vmor vm1, vm7  }
0x1c5: {  	v11 =	vadd.f32 v12, v11;
	v12 =	vld [tilespmem:s28+$0x12020];
	vm1 =	vmor vm3, vm9;
	v15 =	vsel vm2, v1, v0  }
0x1c6: {  	vm3 =	veq.s32 v49, $0x0;
	vm9 =	vmneg vm4;
	v15 =	vadd.f32 v15, v8  }
0x1c7: {  	v48 =	vsel vm1, v1, v0;
	v10 =	vadd.f32 v10, v5;
	v11 =	vadd.f32 v11, v3  }
0x1c8: {  	vm7 =	vmneg vm3;
	vm0 =	vmand vm3, vm0;
	v16 =	vadd.f32 v48, v9  }
0x1c9: {  	vm3 =	vmand vm4, vm2;
	v10 =	vadd.f32 v14, v10;
	v11 =	vsub.f32 $0.0e+00, v11  }
0x1ca: {  	vm1 =	vmand vm5, vm1;
	v13 =	vadd.f32 v15, v13;
	v12 =	vadd.f32 v12, v5  }
0x1cb: {  	vm4 =	veq.s32 v57, $0x0;
	vm6 =	vgt.f32 v10, $0.0e+00;
	v10 =	vld [tilespmem:s28+$0x14000];
	v11 =	vmul.f32 $1.442695020e+00, v11  }
0x1cc: {  	vm8 =	vgt.f32 v13, $0.0e+00;
	vm6 =	vmand vm7, vm6;
	v12 =	vadd.f32 v16, v12  }
0x1cd: {  	vm7 =	vmand vm9, vm8;
	vm2 =	vmor vm0, vm6;
	(erf) = vpow2.f32 v11;
	v11 =	vld [tilespmem:s28+$0x14010]  }
0x1ce: {  	vm0 =	vmor vm3, vm7;
	vm3 =	veq.s32 v56, $0x0;
	vm10 =	vgt.f32 v12, $0.0e+00;
	v12 =	vld [tilespmem:s28+$0x14020]  }
0x1cf: {  	vm6 =	veq.s32 v22, $0x0;
	v14 =	vsel vm2, v1, v0;
	v52 =	vsel vm0, v1, v0  }
0x1d0: {  	v14 =	vadd.f32 v14, v7;
	vm8 =	vmand vm11, vm10;
	v10 =	vadd.f32 v10, v6  }
0x1d1: {  	vm7 =	vmneg vm3;
	v16 =	vadd.f32 v52, v8;
	vm1 =	vmor vm1, vm8  }
0x1d2: {  	v54 =	vsel vm1, v1, v0;
	v10 =	vadd.f32 v14, v10;
	v11 =	vadd.f32 v11, v6  }
0x1d3: {  	vm2 =	vmand vm3, vm2;
	v18 =	vadd.f32 v54, v9;
	v12 =	vadd.f32 v12, v6  }
0x1d4: {  	v59 =	vld [tilespmem:s29+$0xE030];
	vm0 =	vmand vm4, vm0;
	vm10 =	vmneg vm6;
	v11 =	vadd.f32 v16, v11  }
0x1d5: {  	v25 =	vld [tilespmem:s29+$0x16000];
	v15 =	vpop (erf);
	vm1 =	vmand vm6, vm1;
	vm5 =	vgt.f32 v10, $0.0e+00;
	v12 =	vadd.f32 v18, v12  }
0x1d6: {  	v39 =	vld [tilespmem:s29+$0x16020];
	v13 =	vpop (erf);
	vm5 =	vmand vm7, vm5;
	vm7 =	vmneg vm4;
	vm8 =	vgt.f32 v11, $0.0e+00  }
0x1d7: {  	v38 =	vld [tilespmem:s29+$0x16010];
	v53 =	vpop (erf);
	vm2 =	vmor vm2, vm5;
	vm9 =	vgt.f32 v12, $0.0e+00;
	vm3 =	vmand vm7, vm8  }
0x1d8: {  	v41 =	vld [tilespmem:s29+$0x14030];
	v55 =	vpop (erf);
	v10 =	vsel vm2, v1, v0;
	vm7 =	vmand vm10, vm9;
	vm0 =	vmor vm0, vm3  }
0x1d9: {  	v58 =	vpop (erf);
	v11 =	vld [tilespmem:s29+$0xC030];
	v7 =	vadd.f32 v10, v7;
	vm1 =	vmor vm1, vm7;
	v10 =	vsel vm0, v1, v0  }
0x1da: {  	v14 =	vadd.f32 $1.000000000e+00, v58;
	v12 =	vsel vm1, v1, v0;
	v8 =	vadd.f32 v10, v8;
	v10 =	vld [tilespmem:s29+$0xC000]  }
0x1db: {  	v44 =	vand.u32 $0x1, v39;
	v9 =	vadd.f32 v12, v9;
	v12 =	vadd.f32 $1.000000000e+00, v13;
	v13 =	vld [tilespmem:s29+$0x10030]  }
0x1dc: {  	v35 =	vld [tilespmem:s29+$0x10020];
	v42 =	vand.u32 $0x1, v25;
	v43 =	vand.u32 $0x1, v38;
	(erf) = vrcp.f32 v14  }
0x1dd: {  	v47 =	vadd.f32 v41, v6;
	v8 =	vadd.f32 v8, v3;
	(erf) = vrcp.f32 v12;
	v12 =	vld [tilespmem:s29+$0x16030]  }
0x1de: {  	v22 =	vand.u32 $0x4, v39;
	vm2 =	veq.s32 v59, $0x1;
	v63 =	vmul.f32 v11, v2  }
0x1df: {  	v28 =	vld [tilespmem:s29+$0xE010];
	v61 =	vsub.f32 $0.0e+00, v8;
	v8 =	vmul.f32 v10, v2;
	v10 =	vsel vm2, v1, v0  }
0x1e0: {  	v52 =	vand.u32 $0x2, v25;
	v10 =	vadd.f32 v10, v63;
	v13 =	vadd.f32 v13, v4  }
0x1e1: {  	v25 =	vand.u32 $0x4, v25;
	v54 =	vand.u32 $0x2, v39;
	v16 =	vadd.f32 v35, v4  }
0x1e2: {  	vm8 =	veq.s32 v44, $0x0;
	v13 =	vadd.f32 v13, v10;
	v31 =	vand.u32 $0x1, v12  }
0x1e3: {  	vm13 =	vmneg vm8;
	v7 =	vadd.f32 v7, v3;
	v14 =	vld [tilespmem:s29+$0xE000];
	vm3 =	veq.s32 v31, $0x0  }
0x1e4: {  	vm1 =	veq.s32 v28, $0x1;
	vm4 =	vgt.f32 v13, $0.0e+00;
	vm5 =	vmneg vm3  }
0x1e5: {  	v60 =	vsub.f32 $0.0e+00, v7;
	vm3 =	vmand vm3, vm2;
	vm4 =	vmand vm5, vm4  }
0x1e6: {  	v7 =	vadd.f32 $1.000000000e+00, v53;
	v36 =	vsel vm1, v1, v0;
	vm3 =	vmor vm3, vm4  }
0x1e7: {  	v62 =	vld [tilespmem:s29+$0xC010];
	v9 =	vadd.f32 v9, v3;
	v11 =	vmul.f32 $1.442695020e+00, v60;
	v24 =	vsel vm3, v1, v0  }
0x1e8: {  	v53 =	vand.u32 $0x2, v38;
	vm0 =	veq.s32 v14, $0x1;
	v14 =	vld [tilespmem:s29+$0xE020];
	v24 =	vadd.f32 v24, v63  }
0x1e9: {  	v9 =	vsub.f32 $0.0e+00, v9;
	(erf) = vpow2.f32 v11;
	v11 =	vsel vm0, v1, v0;
	v13 =	vld [tilespmem:s29+$0x10010]  }
0x1ea: {  	v29 =	vld [tilespmem:s29+$0xC020];
	v17 =	vmul.f32 $1.442695020e+00, v61;
	v40 =	vand.u32 $0x2, v12;
	v19 =	vadd.f32 v24, v19  }
0x1eb: {  	v30 =	vmul.f32 $1.442695020e+00, v9;
	v9 =	vadd.f32 $1.000000000e+00, v55;
	vm4 =	veq.s32 v40, $0x0  }
0x1ec: {  	v10 =	vmul.f32 v62, v2;
	vm6 =	vmneg vm4;
	vm5 =	vgt.f32 v19, $0.0e+00  }
0x1ed: {  	vm2 =	veq.s32 v14, $0x1;
	vm3 =	vmand vm4, vm3;
	vm4 =	vmand vm6, vm5  }
0x1ee: {  	v14 =	vadd.f32 v36, v10;
	v13 =	vadd.f32 v13, v4;
	vm3 =	vmor vm3, vm4  }
0x1ef: {  	v32 =	vadd.f32 v11, v8;
	v11 =	vmul.f32 v29, v2;
	v45 =	vsel vm3, v1, v0  }
0x1f0: {  	v12 =	vand.u32 $0x4, v12;
	v13 =	vadd.f32 v13, v14;
	v46 =	vadd.f32 v45, v63  }
0x1f1: {  	(erf) = vpow2.f32 v17;
	v20 =	vadd.f32 v20, v32;
	vm12 =	veq.s32 v12, $0x0  }
0x1f2: {  	v12 =	vld [tilespmem:s29+$0x12000];
	v37 =	vsel vm2, v1, v0;
	vm7 =	vgt.f32 v13, $0.0e+00;
	v13 =	vadd.f32 v46, v47  }
0x1f3: {  	vm15 =	vmneg vm12;
	v18 =	vadd.f32 v37, v11;
	vm4 =	veq.s32 v42, $0x0  }
0x1f4: {  	v48 =	vld [tilespmem:s29+$0x12020];
	vm6 =	vgt.f32 v20, $0.0e+00;
	vm10 =	vmneg vm4;
	vm14 =	vgt.f32 v13, $0.0e+00  }
0x1f5: {  	vm3 =	vmand vm12, vm3;
	vm6 =	vmand vm10, vm6;
	vm10 =	vmand vm15, vm14  }
0x1f6: {  	(erf) = vpow2.f32 v30;
	v14 =	vadd.f32 v16, v18;
	vm3 =	vmor vm3, vm10  }
0x1f7: {  	vm2 =	vmand vm8, vm2;
	v12 =	vadd.f32 v12, v5;
	v13 =	vsel vm3, v1, v0  }
0x1f8: {  	vm5 =	veq.s32 v43, $0x0;
	vm9 =	vgt.f32 v14, $0.0e+00;
	v13 =	vadd.f32 v13, v63  }
0x1f9: {  	v16 =	vadd.f32 v48, v5;
	vm11 =	vmneg vm5;
	vm9 =	vmand vm13, vm9  }
0x1fa: {  	vm1 =	vmand vm5, vm1;
	vm5 =	veq.s32 v54, $0x0;
	v13 =	vadd.f32 v13, v3  }
0x1fb: {  	vm7 =	vmand vm11, vm7;
	vm0 =	vmand vm4, vm0;
	vm2 =	vmor vm2, vm9  }
0x1fc: {  	v14 =	vld [tilespmem:s29+$0x12010];
	vm4 =	veq.s32 v53, $0x0;
	vm0 =	vmor vm0, vm6;
	v13 =	vsub.f32 $0.0e+00, v13  }
0x1fd: {  	vm11 =	vmneg vm5;
	vm1 =	vmor vm1, vm7;
	v49 =	vsel vm0, v1, v0  }
0x1fe: {  	v51 =	vsel vm2, v1, v0;
	v18 =	vadd.f32 v49, v8;
	v13 =	vmul.f32 $1.442695020e+00, v13  }
0x1ff: {  	v58 =	vld [tilespmem:s29+$0x14020];
	vm9 =	vmneg vm4;
	v50 =	vsel vm1, v1, v0;
	v20 =	vadd.f32 v51, v11  }
0x200: {  	vm1 =	vmand vm4, vm1;
	v12 =	vadd.f32 v18, v12;
	(erf) = vpow2.f32 v13  }
0x201: {  	v55 =	vld [tilespmem:s29+$0x14000];
	v19 =	vadd.f32 v50, v10;
	v14 =	vadd.f32 v14, v5;
	vm3 =	veq.s32 v52, $0x0  }
0x202: {  	v56 =	vld [tilespmem:s29+$0x14010];
	v16 =	vadd.f32 v20, v16;
	vm6 =	vgt.f32 v12, $0.0e+00;
	vm7 =	vmneg vm3  }
0x203: {  	v14 =	vadd.f32 v19, v14;
	vm0 =	vmand vm3, vm0;
	vm6 =	vmand vm7, vm6  }
0x204: {  	v57 =	vpop (erf);
	v20 =	vadd.f32 v58, v6;
	vm3 =	vmand vm5, vm2;
	vm2 =	vmor vm0, vm6  }
0x205: {  	v59 =	vpop (erf);
	vm8 =	vgt.f32 v14, $0.0e+00;
	vm10 =	vgt.f32 v16, $0.0e+00;
	v12 =	vsel vm2, v1, v0  }
0x206: {  	v18 =	vadd.f32 v55, v6;
	vm7 =	vmand vm9, vm8;
	vm8 =	vmand vm11, vm10;
	v13 =	vpop (erf)  }
0x207: {  	v16 =	vadd.f32 v56, v6;
	vm0 =	vmor vm1, vm7;
	vm1 =	vmor vm3, vm8;
	v14 =	vpop (erf)  }
0x208: {  	v60 =	vsel vm0, v1, v0;
	v61 =	vsel vm1, v1, v0;
	v26 =	vadd.f32 v12, v8;
	v12 =	vpop (erf)  }
0x209: {  	v17 =	vand.u32 $0x4, v38;
	v23 =	vadd.f32 v60, v10;
	v24 =	vadd.f32 v61, v11;
	v27 =	vpop (erf)  }
0x20a: {  	vm4 =	veq.s32 v25, $0x0;
	v18 =	vadd.f32 v26, v18;
	v62 =	vadd.f32 $1.000000000e+00, v27  }
0x20b: {  	[tilespmem:s26+$0x1A030] =	vst v15;
	vm5 =	veq.s32 v22, $0x0;
	v15 =	vadd.f32 v23, v16;
	v63 =	vadd.f32 v24, v20  }
0x20c: {  	[tilespmem:s28+$0x1A030] =	vst v57;
	vm9 =	vmneg vm4;
	vm3 =	veq.s32 v17, $0x0;
	(erf) = vrcp.f32 v62  }
0x20d: {  	s31 =	simm.s32 $0x8;
	s19 =	simm.s32 $0xC0;
	s0 =	simm.s32 $0x600;
	[tilespmem:s26+$0x1A000] =	vst v59;
	vm8 =	vgt.f32 v18, $0.0e+00;
	vm6 =	vgt.f32 v15, $0.0e+00;
	vm7 =	vgt.f32 v63, $0.0e+00  }
.LBB2_4:
0x20e: {  	s3 =	sand.u32 $0x1800, s19;
	s4 =	sand.u32 $0x400, s0;
	vm8 =	vmand vm9, vm8;
	vm9 =	vmneg vm3;
	vm10 =	vmneg vm5;
	s30 =	sadd.s32 $0x20, s30  }
0x20f: {  	s31 =	sadd.s32 $0x4, s31;
	vm2 =	vmand vm4, vm2;
	s3 =	sor.u32 s4, s3;
	s4 =	sand.u32 $0x380, s30;
	vm4 =	vmand vm9, vm6;
	vm6 =	vmand vm10, vm7  }
0x210: {  	s22 =	sand.u32 $0x40, s19;
	vm0 =	vmand vm3, vm0;
	vm1 =	vmand vm5, vm1;
	p0 =	slt.u32 s31, $0x1FC;
	vm2 =	vmor vm2, vm8;
	s3 =	sor.u32 s4, s3  }
0x211: {  	v15 =	vsel vm2, v1, v0;
	vm0 =	vmor vm0, vm4;
	vm1 =	vmor vm1, vm6;
	s22 =	sor.u32 s22, s3  }
0x212: {  	v8 =	vadd.f32 v15, v8;
	v15 =	vsel vm0, v1, v0;
	v17 =	vsel vm1, v1, v0;
	v16 =	vld [tilespmem:s22+$0xC030]  }
0x213: {  	v10 =	vadd.f32 v15, v10;
	v11 =	vadd.f32 v17, v11;
	v19 =	vld [tilespmem:s22+$0xE030];
	(erf) = vrcp.f32 v7  }
0x214: {  	v7 =	vadd.f32 v8, v3;
	v8 =	vadd.f32 $1.000000000e+00, v13;
	v15 =	vld [tilespmem:s22+$0xC000];
	(erf) = vrcp.f32 v9  }
0x215: {  	v10 =	vadd.f32 v10, v3;
	v11 =	vadd.f32 v11, v3;
	v9 =	vld [tilespmem:s22+$0x10030];
	v13 =	vpop (erf)  }
0x216: {  	v20 =	vsub.f32 $0.0e+00, v7;
	v7 =	vadd.f32 $1.000000000e+00, v14;
	v17 =	vld [tilespmem:s22+$0xE000];
	[tilespmem:s29+$0x1A030] =	vst v13;
	(erf) = vrcp.f32 v8  }
0x217: {  	v10 =	vsub.f32 $0.0e+00, v10;
	v11 =	vsub.f32 $0.0e+00, v11;
	v21 =	vld [tilespmem:s22+$0x16030]  }
0x218: {  	v18 =	vmul.f32 v16, v2;
	v14 =	vmul.f32 $1.442695020e+00, v20;
	v13 =	vld [tilespmem:s22+$0xC010];
	vm2 =	veq.s32 v19, $0x1  }
0x219: {  	v19 =	vmul.f32 $1.442695020e+00, v10;
	v8 =	vmul.f32 v15, v2;
	v15 =	vld [tilespmem:s22+$0xE010];
	v16 =	vsel vm2, v1, v0  }
0x21a: {  	v22 =	vmul.f32 $1.442695020e+00, v11;
	v20 =	vld [tilespmem:s22+$0xC020];
	v10 =	vadd.f32 v16, v18;
	v16 =	vadd.f32 v9, v4  }
0x21b: {  	v9 =	vadd.f32 $1.000000000e+00, v12;
	vm0 =	veq.s32 v17, $0x1;
	v17 =	vld [tilespmem:s22+$0xE020];
	(erf) = vpow2.f32 v14  }
0x21c: {  	v25 =	vsel vm0, v1, v0;
	v12 =	vld [tilespmem:s22+$0x10000];
	v14 =	vadd.f32 v16, v10;
	v16 =	vand.u32 $0x1, v21;
	v23 =	vpop (erf)  }
0x21d: {  	v24 =	vadd.f32 v25, v8;
	v10 =	vmul.f32 v13, v2;
	vm3 =	veq.s32 v16, $0x0;
	v13 =	vld [tilespmem:s22+$0x12030];
	[tilespmem:s26+$0x1A010] =	vst v23;
	v11 =	vpop (erf)  }
0x21e: {  	vm1 =	veq.s32 v15, $0x1;
	v23 =	vld [tilespmem:s22+$0x10010];
	vm4 =	vgt.f32 v14, $0.0e+00;
	vm5 =	vmneg vm3;
	[tilespmem:s26+$0x1A020] =	vst v11;
	s26 =	smov.u32 s28;
	s28 =	smov.u32 s29;
	s29 =	smov.u32 s22  }
0x21f: {  	vm3 =	vmand vm3, vm2;
	v11 =	vmul.f32 v20, v2;
	v14 =	vld [tilespmem:s29+$0x10020];
	vm4 =	vmand vm5, vm4;
	v16 =	vpop (erf)  }
0x220: {  	v20 =	vsel vm1, v1, v0;
	v15 =	vld [tilespmem:s29+$0x16000];
	vm2 =	veq.s32 v17, $0x1;
	vm3 =	vmor vm3, vm4;
	[tilespmem:s26+$0x1A000] =	vst v16  }
0x221: {  	v20 =	vadd.f32 v20, v10;
	v16 =	vld [tilespmem:s29+$0x16010];
	v25 =	vsel vm2, v1, v0;
	v26 =	vsel vm3, v1, v0  }
0x222: {  	v17 =	vld [tilespmem:s29+$0x16020];
	v26 =	vadd.f32 v26, v18;
	v28 =	vadd.f32 v13, v5;
	(erf) = vpow2.f32 v19  }
0x223: {  	v12 =	vadd.f32 v12, v4;
	v25 =	vadd.f32 v25, v11;
	v19 =	vld [tilespmem:s29+$0x12000];
	(erf) = vpow2.f32 v22  }
0x224: {  	v27 =	vand.u32 $0x2, v21;
	v22 =	vadd.f32 v23, v4;
	v23 =	vld [tilespmem:s29+$0x12010];
	v26 =	vadd.f32 v26, v28;
	v13 =	vpop (erf)  }
0x225: {  	vm4 =	veq.s32 v27, $0x0;
	v12 =	vadd.f32 v12, v24;
	v14 =	vadd.f32 v14, v4;
	v24 =	vld [tilespmem:s29+$0x14030]  }
0x226: {  	vm6 =	vmneg vm4;
	v20 =	vadd.f32 v22, v20;
	v22 =	vld [tilespmem:s29+$0x12020];
	vm5 =	vgt.f32 v26, $0.0e+00  }
0x227: {  	vm3 =	vmand vm4, vm3;
	v25 =	vadd.f32 v14, v25;
	v26 =	vld [tilespmem:s29+$0x14000];
	vm4 =	vmand vm6, vm5  }
0x228: {  	v14 =	vand.u32 $0x1, v15;
	v27 =	vand.u32 $0x1, v16;
	v28 =	vld [tilespmem:s29+$0x14010];
	vm4 =	vmor vm3, vm4  }
0x229: {  	v31 =	vand.u32 $0x1, v17;
	vm3 =	veq.s32 v14, $0x0;
	v29 =	vld [tilespmem:s29+$0x14020];
	v30 =	vsel vm4, v1, v0  }
0x22a: {  	vm5 =	veq.s32 v27, $0x0;
	v27 =	vadd.f32 v30, v18;
	v24 =	vadd.f32 v24, v6  }
0x22b: {  	vm6 =	vgt.f32 v12, $0.0e+00;
	vm7 =	vgt.f32 v20, $0.0e+00;
	vm8 =	veq.s32 v31, $0x0;
	v14 =	vpop (erf)  }
0x22c: {  	v21 =	vand.u32 $0x4, v21;
	vm9 =	vgt.f32 v25, $0.0e+00;
	v20 =	vadd.f32 v27, v24;
	v12 =	vpop (erf)  }
0x22d: {  	vm12 =	veq.s32 v21, $0x0;
	vm11 =	vmneg vm5;
	vm10 =	vmneg vm3  }
0x22e: {  	vm15 =	vmneg vm12;
	vm13 =	vmneg vm8;
	vm14 =	vgt.f32 v20, $0.0e+00  }
0x22f: {  	vm4 =	vmand vm12, vm4;
	vm6 =	vmand vm10, vm6;
	vm10 =	vmand vm15, vm14  }
0x230: {  	vm7 =	vmand vm11, vm7;
	vm9 =	vmand vm13, vm9;
	vm4 =	vmor vm4, vm10  }
0x231: {  	vm1 =	vmand vm5, vm1;
	vm0 =	vmand vm3, vm0;
	v20 =	vsel vm4, v1, v0  }
0x232: {  	vm2 =	vmand vm8, vm2;
	vm0 =	vmor vm0, vm6;
	v18 =	vadd.f32 v20, v18  }
0x233: {  	vm1 =	vmor vm1, vm7;
	vm2 =	vmor vm2, vm9;
	v20 =	vsel vm0, v1, v0  }
0x234: {  	v21 =	vsel vm1, v1, v0;
	v24 =	vsel vm2, v1, v0;
	v18 =	vadd.f32 v18, v3  }
0x235: {  	v25 =	vand.u32 $0x2, v15;
	v21 =	vadd.f32 v21, v10;
	v20 =	vadd.f32 v20, v8  }
0x236: {  	v27 =	vand.u32 $0x2, v16;
	v24 =	vadd.f32 v24, v11;
	v18 =	vsub.f32 $0.0e+00, v18  }
0x237: {  	v19 =	vadd.f32 v19, v5;
	v23 =	vadd.f32 v23, v5;
	v30 =	vand.u32 $0x2, v17  }
0x238: {  	vm3 =	veq.s32 v25, $0x0;
	v22 =	vadd.f32 v22, v5;
	v18 =	vmul.f32 $1.442695020e+00, v18  }
0x239: {  	vm4 =	veq.s32 v27, $0x0;
	v19 =	vadd.f32 v20, v19;
	v20 =	vadd.f32 v21, v23  }
0x23a: {  	vm5 =	veq.s32 v30, $0x0;
	v21 =	vadd.f32 v24, v22;
	(erf) = vpow2.f32 v18  }
0x23b: {  	vm7 =	vmneg vm3;
	vm6 =	vgt.f32 v19, $0.0e+00;
	vm8 =	vgt.f32 v20, $0.0e+00  }
0x23c: {  	vm11 =	vmneg vm5;
	vm9 =	vmneg vm4;
	vm10 =	vgt.f32 v21, $0.0e+00  }
0x23d: {  	vm6 =	vmand vm7, vm6;
	vm7 =	vmand vm9, vm8;
	vm8 =	vmand vm11, vm10  }
0x23e: {  	vm0 =	vmand vm3, vm0;
	vm1 =	vmand vm4, vm1;
	vm3 =	vmand vm5, vm2  }
0x23f: {  	vm2 =	vmor vm0, vm6;
	vm0 =	vmor vm1, vm7;
	vm1 =	vmor vm3, vm8  }
0x240: {  	v18 =	vsel vm2, v1, v0;
	v19 =	vsel vm0, v1, v0;
	v20 =	vsel vm1, v1, v0  }
0x241: {  	v15 =	vand.u32 $0x4, v15;
	v18 =	vadd.f32 v18, v8;
	v19 =	vadd.f32 v19, v10  }
0x242: {  	v16 =	vand.u32 $0x4, v16;
	v21 =	vadd.f32 v26, v6;
	v20 =	vadd.f32 v20, v11  }
.Ltmp1:
0x243: {  	v17 =	vand.u32 $0x4, v17;
	v22 =	vadd.f32 v28, v6;
	v23 =	vadd.f32 v29, v6;
	v24 =	vpop (erf);
	(pc) =	sbr.rel @p0 .LBB2_4-.Ltmp1, $4  }
0x244: {  	vm4 =	veq.s32 v15, $0x0;
	v18 =	vadd.f32 v18, v21;
	v15 =	vadd.f32 $1.000000000e+00, v24  }
0x245: {  	vm3 =	veq.s32 v16, $0x0;
	v19 =	vadd.f32 v19, v22;
	v16 =	vadd.f32 v20, v23  }
0x246: {  	vm5 =	veq.s32 v17, $0x0;
	vm8 =	vgt.f32 v18, $0.0e+00;
	(erf) = vrcp.f32 v15  }
0x247: {  	s0 =	sadd.s32 $0x200, s0;
	s19 =	sadd.s32 $0x40, s19;
	vm9 =	vmneg vm4;
	vm6 =	vgt.f32 v19, $0.0e+00;
	vm7 =	vgt.f32 v16, $0.0e+00  }
0x248: {  	vm8 =	vmand vm9, vm8;
	vm13 =	vmneg vm3  }
0x249: {  	vm10 =	vmneg vm5;
	vm2 =	vmand vm4, vm2;
	vm0 =	vmand vm3, vm0  }
0x24a: {  	vm1 =	vmand vm5, vm1;
	vm14 =	vmand vm13, vm6;
	vm2 =	vmor vm2, vm8  }
0x24b: {  	vm15 =	vmand vm10, vm7;
	v2 =	vsel vm2, v1, v0;
	vm0 =	vmor vm0, vm14  }
0x24c: {  	vm1 =	vmor vm1, vm15;
	v2 =	vadd.f32 v2, v8;
	v4 =	vsel vm0, v1, v0  }
0x24d: {  	v46 =	vsel vm1, v1, v0;
	v47 =	vadd.f32 v4, v10  }
0x24e: {  	v0 =	vadd.f32 v46, v11;
	v2 =	vadd.f32 v2, v3  }
0x24f: {  	v1 =	vadd.f32 v47, v3  }
0x250: {  	v0 =	vadd.f32 v0, v3;
	v2 =	vsub.f32 $0.0e+00, v2  }
0x251: {  	(erf) = vrcp.f32 v7;
	v48 =	vadd.f32 $1.000000000e+00, v13;
	v1 =	vsub.f32 $0.0e+00, v1  }
0x252: {  	(erf) = vrcp.f32 v9;
	v0 =	vsub.f32 $0.0e+00, v0;
	v2 =	vmul.f32 $1.442695020e+00, v2  }
0x253: {  	(erf) = vrcp.f32 v48;
	v1 =	vmul.f32 $1.442695020e+00, v1  }
0x254: {  	v0 =	vmul.f32 $1.442695020e+00, v0;
	(erf) = vpow2.f32 v2  }
0x255: {  	(erf) = vpow2.f32 v1  }
0x256: {  	(erf) = vpow2.f32 v0;
	_ =	sdelay $0x2  }
0x257: {  	v49 =	vpop (erf)  }
0x258: {  	v50 =	vpop (erf)  }
0x259: {  	v51 =	vpop (erf)  }
0x25a: {  	v52 =	vadd.f32 $1.000000000e+00, v14;
	v53 =	vpop (erf)  }
0x25b: {  	v5 =	vadd.f32 $1.000000000e+00, v12;
	v6 =	vpop (erf)  }
0x25c: {  	(erf) = vrcp.f32 v52;
	v54 =	vpop (erf);
	v55 =	vadd.f32 $1.000000000e+00, v6  }
0x25d: {  	(erf) = vrcp.f32 v5;
	v56 =	vpop (erf);
	v57 =	vadd.f32 $1.000000000e+00, v54  }
0x25e: {  	(erf) = vrcp.f32 v55;
	v58 =	vadd.f32 $1.000000000e+00, v56  }
0x25f: {  	(erf) = vrcp.f32 v57  }
0x260: {  	(erf) = vrcp.f32 v58;
	_ =	sdelay $0x1  }
0x261: {  	[tilespmem:s29+$0x1A030] =	vst v49  }
0x262: {  	[tilespmem:s26+$0x1A010] =	vst v50  }
0x263: {  	[tilespmem:s26+$0x1A020] =	vst v51  }
0x264: {  	[tilespmem:s28+$0x1A000] =	vst v53;
	v59 =	vpop (erf)  }
0x265: {  	[tilespmem:s28+$0x1A010] =	vst v59;
	v60 =	vpop (erf)  }
0x266: {  	[tilespmem:s28+$0x1A020] =	vst v60;
	v61 =	vpop (erf)  }
0x267: {  	[tilespmem:s29+$0x1A000] =	vst v61;
	v62 =	vpop (erf)  }
0x268: {  	[tilespmem:s29+$0x1A010] =	vst v62;
	v63 =	vpop (erf)  }
0x269: {  	s0 =	simm.s32 $0x1A000;
	s25 =	sadd.s32 $0x1, s25;
	[tilespmem:s29+$0x1A020] =	vst v63  }
0x26a: {  	[hbm4b:s17+s1] =	stream.linear.scatter [tilespmem:s0], [sflag:$0x4], $0x2000, $0x38;
	[tilespmem:$0x1C100] =	vst v63  }
0x26b: {  	p0 =	sne.s32 s25, s18;
	_ =	swait.ge [sflag:s23], $0x2000  }
.Ltmp2:
0x26c: {  	[sflag:s23] =	ssyncset.done $0x0;
	(pc) =	sbr.rel @p0 .LBB2_1-.Ltmp2, $4  }
0x26d: {  	[sflag:s23] =	ssyncadd.s32 $0xFFFFE000  }
0x26e: {  	_ =	swait.ge [sflag:s24], $0x2000  }
0x26f: {  	[sflag:s24] =	ssyncset.done $0x0  }
0x270: {  	[sflag:s24] =	ssyncadd.s32 $0xFFFFE000  }
0x271: {  	_ =	sfence.sel $0x180000  }
0x272: {  	[bflag:$0x0] =	sbarrier.arrive $0xFFFF  }
0x273: {  	_ =	strace $0x90000047  }
0x274: {  	s0 =	stileid.u32;
	[bflag:$0x2] =	sbarrier.arrive $0xFFFF  }
0x275: {  	p0 =	sne.s32 s0, $0x0;
	s0 =	rddreg [dreg:$0x4]  }
0x276: {  	s0 =	sadd.s32 @!p0 $0x100000, s0  }
0x277: {  	[sflag:s0] =	ssyncadd.tile.s32 @!p0 $0x1;
	_ =	shalt  }
.Lfunc_end2:
_tile_overlayer_lowered:
.L_overlay_start_2:
0x278: {  	(tag) =	ssettag $0x2  }
0x279: {  	s0 =	rddreg [dreg:$0x0];
	s2 =	stileid.u32  }
0x27a: {  	s1 =	rddreg [dreg:$0x1];
	p0 =	sne.s32 s2, $0x0  }
0x27b: {  	s3 =	rddreg [dreg:$0x2];
	[bflag:$0x3] =	sbarrier.arrive $0xFFFF;
	s2 =	simm.s32 @!p0 $0x1C05  }
0x27c: {  	[timem:s3], [sflag:s2] =	dma.local @!p0 [hbm:s0], s1  }
0x27d: {  	s0 =	simm.s32 @!p0 $0x5  }
0x27e: {  	_ =	swait.ge @!p0 [sflag:s0], s1  }
0x27f: {  	s1 =	ssub.s32 @!p0 $0x0, s1;
	[sflag:s0] =	ssyncset.done @!p0 $0x0  }
0x280: {  	[sflag:s0] =	ssyncadd.s32 @!p0 s1  }
0x281: {  	[bflag:$0x3] =	sbarrier.arrive $0xFFFF  }
0x282: {  	_ =	shalt  }

</sc_bundles>
